<compile_context>
chip_gen: v7x
topology: tpu7x:2x2x1
jax: 0.10.2.dev20260603
libtpu: 0.0.44.dev20260713+nightly
codegen_flags: <defaults>
</compile_context>

<pallas_src>
import functools

import jax
import jax.numpy as jnp
from jax import lax
from jax.experimental import pallas as pl
from jax.experimental.pallas import tpu as pltpu
from jax.experimental.pallas import tpu_sc as plsc

N = 10000
E = 320000
D = 128
H = 128
OUT = 64

NC = 2
NS = 16
ROW = 128
EPW = 79 * ROW
EP = NC * NS * EPW
NROWS = EPW // ROW
NROWS0 = 97
NROWS1 = 2 * NROWS - NROWS0
RMAX = max(NROWS0, NROWS1)
ACC_ROWS = 10240
SLICE = ACC_ROWS // NS

_MESH = plsc.VectorSubcoreMesh(core_axis_name="c", subcore_axis_name="s")


def _sc_agg_body(with_deg, width, z_hbm, src_hbm, dst_hbm, zeros_hbm,
                 ones_hbm, zeros1_hbm, *refs):
  if with_deg:
    (part_hbm, deg_hbm, idx_src, idx_dst, zbuf, ones_v, acc_sh, deg_sh,
     *bufs) = refs
  else:
    part_hbm, idx_src, idx_dst, zbuf, acc_sh, *bufs = refs
    deg_hbm = ones_v = deg_sh = None

  cid = lax.axis_index("c")
  sid = lax.axis_index("s")
  w = cid * NS + sid

  pltpu.sync_copy(src_hbm.at[w], idx_src)
  pltpu.sync_copy(dst_hbm.at[w], idx_dst)
  pltpu.sync_copy(zeros_hbm, zbuf)
  if with_deg:
    pltpu.sync_copy(ones_hbm, ones_v)

  base = sid * SLICE
  off = 0
  while off < SLICE:
    sz = min(ROW, SLICE - off)
    pltpu.sync_copy(zbuf.at[pl.ds(0, sz)], acc_sh.at[pl.ds(base + off, sz)])
    off += sz
  if with_deg:
    pltpu.sync_copy(zeros1_hbm, deg_sh.at[pl.ds(base, SLICE)])
  plsc.subcore_barrier()

  def step(j, carry):
    pltpu.sync_copy(z_hbm.at[idx_src.at[j]], bufs[0])
    pltpu.sync_copy(bufs[0], acc_sh.at[idx_dst.at[j]], add=True)
    if with_deg:
      pltpu.sync_copy(ones_v, deg_sh.at[idx_dst.at[j]], add=True)
    return carry

  nrows = jnp.where(cid == 0, NROWS0, NROWS1)
  lax.fori_loop(0, nrows, step, 0)
  plsc.subcore_barrier()

  off = 0
  while off < SLICE:
    sz = min(ROW, SLICE - off)
    pltpu.sync_copy(acc_sh.at[pl.ds(base + off, sz)],
                    part_hbm.at[cid, pl.ds(base + off, sz)])
    off += sz
  if with_deg:
    pltpu.sync_copy(deg_sh.at[pl.ds(base, SLICE)],
                    deg_hbm.at[cid, 0, pl.ds(base, SLICE)])


def _sc_agg2_body(za_hbm, zb_hbm, src_hbm, dst_hbm, zeros_hbm, ones_hbm,
                  zeros1_hbm, parta_hbm, partb_hbm, deg_hbm,
                  idx_src, idx_dst, zbuf, ones_v, acc_sh, deg_sh, rowbuf):
  cid = lax.axis_index("c")
  sid = lax.axis_index("s")
  w = cid * NS + sid
  nrows = jnp.where(cid == 0, NROWS0, NROWS1)
  base = sid * SLICE

  pltpu.sync_copy(src_hbm.at[w], idx_src)
  pltpu.sync_copy(dst_hbm.at[w], idx_dst)
  pltpu.sync_copy(zeros_hbm, zbuf)
  pltpu.sync_copy(ones_hbm, ones_v)

  def zero_acc():
    off = 0
    while off < SLICE:
      sz = min(ROW, SLICE - off)
      pltpu.sync_copy(zbuf.at[pl.ds(0, sz)],
                      acc_sh.at[pl.ds(base + off, sz)])
      off += sz

  def writeout(part_hbm):
    off = 0
    while off < SLICE:
      sz = min(ROW, SLICE - off)
      pltpu.sync_copy(acc_sh.at[pl.ds(base + off, sz)],
                      part_hbm.at[cid, pl.ds(base + off, sz)])
      off += sz

  zero_acc()
  pltpu.sync_copy(zeros1_hbm, deg_sh.at[pl.ds(base, SLICE)])
  plsc.subcore_barrier()

  def step_a(j, carry):
    pltpu.sync_copy(za_hbm.at[idx_src.at[j]], rowbuf)
    pltpu.sync_copy(rowbuf, acc_sh.at[idx_dst.at[j]], add=True)
    pltpu.sync_copy(ones_v, deg_sh.at[idx_dst.at[j]], add=True)
    return carry

  lax.fori_loop(0, nrows, step_a, 0)
  plsc.subcore_barrier()
  writeout(parta_hbm)
  pltpu.sync_copy(deg_sh.at[pl.ds(base, SLICE)],
                  deg_hbm.at[cid, 0, pl.ds(base, SLICE)])
  zero_acc()
  plsc.subcore_barrier()

  def step_b(j, carry):
    pltpu.sync_copy(zb_hbm.at[idx_src.at[j]], rowbuf)
    pltpu.sync_copy(rowbuf, acc_sh.at[idx_dst.at[j]], add=True)
    return carry

  lax.fori_loop(0, nrows, step_b, 0)
  plsc.subcore_barrier()
  writeout(partb_hbm)


def _make_sc_agg2():
  out_type = [jax.ShapeDtypeStruct((NC, ACC_ROWS, OUT), jnp.float32),
              jax.ShapeDtypeStruct((NC, ACC_ROWS, OUT), jnp.float32),
              jax.ShapeDtypeStruct((NC, 1, ACC_ROWS), jnp.float32)]
  scratch = [
      pltpu.VMEM((RMAX, ROW), jnp.int32),
      pltpu.VMEM((RMAX, ROW), jnp.int32),
      pltpu.VMEM((ROW, OUT), jnp.float32),
      pltpu.VMEM((ROW,), jnp.float32),
      pltpu.VMEM_SHARED((ACC_ROWS, OUT), jnp.float32),
      pltpu.VMEM_SHARED((ACC_ROWS,), jnp.float32),
      pltpu.VMEM((ROW, OUT), jnp.float32),
  ]
  return pl.kernel(_sc_agg2_body, out_type=out_type, mesh=_MESH,
                   scratch_types=scratch,
                   compiler_params=pltpu.CompilerParams(
                       use_tc_tiling_on_sc=False))


def _make_sc_agg(width, with_deg):
  out_type = [jax.ShapeDtypeStruct((NC, ACC_ROWS, width), jnp.float32)]
  scratch = [
      pltpu.VMEM((RMAX, ROW), jnp.int32),
      pltpu.VMEM((RMAX, ROW), jnp.int32),
      pltpu.VMEM((ROW, width), jnp.float32),
  ]
  if with_deg:
    out_type.append(jax.ShapeDtypeStruct((NC, 1, ACC_ROWS), jnp.float32))
    scratch.append(pltpu.VMEM((ROW,), jnp.float32))
  scratch.append(pltpu.VMEM_SHARED((ACC_ROWS, width), jnp.float32))
  if with_deg:
    scratch.append(pltpu.VMEM_SHARED((ACC_ROWS,), jnp.float32))
  scratch.append(pltpu.VMEM((ROW, width), jnp.float32))

  body = functools.partial(_sc_agg_body, with_deg, width)
  return pl.kernel(body, out_type=out_type, mesh=_MESH,
                   scratch_types=scratch,
                   compiler_params=pltpu.CompilerParams(
                       use_tc_tiling_on_sc=False))


def _proj1_body(x_ref, wn_ref, ws_ref, bn_ref, bs_ref, za_ref, zb_ref,
                s_ref):
  x = x_ref[:]
  z = jnp.dot(x, wn_ref[:], preferred_element_type=jnp.float32)
  za_ref[:] = z[:, :OUT]
  zb_ref[:] = z[:, OUT:]
  s_ref[:] = (jnp.dot(x, ws_ref[:], preferred_element_type=jnp.float32)
              + bn_ref[:] + bs_ref[:])


def _layer1_body(p0a_ref, p1a_ref, p0b_ref, p1b_ref, d0_ref, d1_ref, s1_ref,
                 wn_ref, ws_ref, wo_ref, bn_ref, bs_ref, bo_ref,
                 z2_ref, s2_ref):
  deg = d0_ref[:] + d1_ref[:]
  rdeg = 1.0 / jnp.maximum(deg, 1.0)
  agg = jnp.concatenate(
      [(p0a_ref[:] + p1a_ref[:]) * rdeg, (p0b_ref[:] + p1b_ref[:]) * rdeg],
      axis=1)
  h1 = jnp.maximum(agg + s1_ref[:], 0.0)
  wo = wo_ref[:]
  wno = jnp.dot(wn_ref[:], wo, preferred_element_type=jnp.float32)
  wso = jnp.dot(ws_ref[:], wo, preferred_element_type=jnp.float32)
  b2 = (jnp.dot(bn_ref[:] + bs_ref[:], wo,
                preferred_element_type=jnp.float32) + bo_ref[:])
  z2_ref[:] = jnp.dot(h1, wno, preferred_element_type=jnp.float32)
  s2_ref[:] = (jnp.dot(h1, wso, preferred_element_type=jnp.float32) + b2)


def _final_body(q0_ref, q1_ref, d0_ref, d1_ref, s2_ref, out_ref):
  deg = d0_ref[:] + d1_ref[:]
  rdeg = 1.0 / jnp.maximum(deg, 1.0)
  out_ref[:] = (q0_ref[:] + q1_ref[:]) * rdeg + s2_ref[:]


_BM = 400
_GRID = (N // _BM,)


def _row_spec(w):
  return pl.BlockSpec((_BM, w), lambda i: (i, 0))


def _full_spec(r, c):
  return pl.BlockSpec((r, c), lambda i: (0, 0))


def kernel(features, edge_index, W_neigh, b_neigh, W_self, b_self,
           W_out, b_out):
  src = edge_index[0].astype(jnp.int32)
  dst = edge_index[1].astype(jnp.int32)
  pad = EP - E
  src_p = jnp.concatenate([src, jnp.zeros((pad,), jnp.int32)])
  dst_p = jnp.concatenate([dst, jnp.full((pad,), N, jnp.int32)])

  def to_tiles(flat, fill):
    rows = flat.reshape(EP // ROW, ROW)
    n0 = NS * NROWS0
    t0 = rows[:n0].reshape(NS, NROWS0, ROW)
    t0 = jnp.concatenate(
        [t0, jnp.full((NS, RMAX - NROWS0, ROW), fill, jnp.int32)], axis=1)
    t1 = rows[n0:].reshape(NS, NROWS1, ROW)
    if RMAX > NROWS1:
      t1 = jnp.concatenate(
          [t1, jnp.full((NS, RMAX - NROWS1, ROW), fill, jnp.int32)], axis=1)
    return jnp.concatenate([t0, t1], axis=0)

  src2d = to_tiles(src_p, 0)
  dst2d = to_tiles(dst_p, N)
  zeros128 = jnp.zeros((ROW, D), jnp.float32)
  zeros64 = jnp.zeros((ROW, OUT), jnp.float32)
  ones1 = jnp.ones((ROW,), jnp.float32)
  zeros1 = jnp.zeros((SLICE,), jnp.float32)
  bn = b_neigh.reshape(1, H)
  bs = b_self.reshape(1, H)
  bo = b_out.reshape(1, OUT)

  z1a, z1b, s1 = pl.pallas_call(
      _proj1_body,
      grid=_GRID,
      in_specs=[_row_spec(D), _full_spec(D, H), _full_spec(D, H),
                _full_spec(1, H), _full_spec(1, H)],
      out_specs=[_row_spec(OUT), _row_spec(OUT), _row_spec(H)],
      out_shape=[jax.ShapeDtypeStruct((N, OUT), jnp.float32),
                 jax.ShapeDtypeStruct((N, OUT), jnp.float32),
                 jax.ShapeDtypeStruct((N, H), jnp.float32)],
  )(features, W_neigh, W_self, bn, bs)

  part1a, part1b, degp = _make_sc_agg2()(z1a, z1b, src2d, dst2d, zeros64,
                                         ones1, zeros1)
  d0 = degp[0, 0, :N].reshape(N, 1)
  d1 = degp[1, 0, :N].reshape(N, 1)

  z2, s2 = pl.pallas_call(
      _layer1_body,
      grid=_GRID,
      in_specs=[_row_spec(OUT), _row_spec(OUT), _row_spec(OUT),
                _row_spec(OUT), _row_spec(1), _row_spec(1), _row_spec(H),
                _full_spec(D, H), _full_spec(D, H), _full_spec(H, OUT),
                _full_spec(1, H), _full_spec(1, H), _full_spec(1, OUT)],
      out_specs=[_row_spec(OUT), _row_spec(OUT)],
      out_shape=[jax.ShapeDtypeStruct((N, OUT), jnp.float32),
                 jax.ShapeDtypeStruct((N, OUT), jnp.float32)],
  )(part1a[0], part1a[1], part1b[0], part1b[1], d0, d1, s1,
    W_neigh, W_self, W_out, bn, bs, bo)

  part2 = _make_sc_agg(OUT, False)(z2, src2d, dst2d, zeros64, ones1,
                                   zeros1)[0]

  out = pl.pallas_call(
      _final_body,
      grid=_GRID,
      in_specs=[_row_spec(OUT), _row_spec(OUT), _row_spec(1), _row_spec(1),
                _row_spec(OUT)],
      out_specs=_row_spec(OUT),
      out_shape=jax.ShapeDtypeStruct((N, OUT), jnp.float32),
  )(part2[0], part2[1], d0, d1, s2)
  return out

# --- scband reference (transcript-rebuilt; emitter-appended) ---
"""Pipeline reference for scband-func-gcn-73538430042258 (READ-ONLY COPY).

The authoritative reference and input builder live on the scoring server;
editing this copy changes nothing except your own understanding.
"""

import jax, jax.numpy as jnp
import numpy as np

N = 10000
E = 320000
D = 128
H = 128
OUT = 64
LAYERS = 2


def setup_inputs(seed: int = 0) -> dict:
    key = jax.random.key(seed)
    ks = jax.random.split(key, 6)
    features = jax.random.normal(ks[0], (N, D), dtype=jnp.float32)
    edge_index = jax.random.randint(ks[1], (2, E), 0, N).astype(jnp.int64)
    W_neigh = jax.random.normal(ks[2], (D, H), dtype=jnp.float32) * 0.05
    b_neigh = jnp.zeros((H,), dtype=jnp.float32)
    W_self = jax.random.normal(ks[3], (D, H), dtype=jnp.float32) * 0.05
    b_self = jnp.zeros((H,), dtype=jnp.float32)
    W_out = jax.random.normal(ks[4], (H, OUT), dtype=jnp.float32) * 0.05
    b_out = jnp.zeros((OUT,), dtype=jnp.float32)
    return {
        "features": features,
        "edge_index": edge_index,
        "W_neigh": W_neigh,
        "b_neigh": b_neigh,
        "W_self": W_self,
        "b_self": b_self,
        "W_out": W_out,
        "b_out": b_out,
    }


def reference(features, edge_index, W_neigh, b_neigh, W_self, b_self, W_out, b_out):
    # FuncGCN forward: depth = n_layers = 2, same FunctionConv module (shared
    # weights) applied at every layer. FunctionConv with aggregator_type='mean'
    # and combine_type='sum' is modeled as SAGE-mean style:
    #   h' = mean_{u in N(v)} h_u @ W_neigh + b_neigh + h_v @ W_self + b_self
    # activation (relu) applied on all but last conv layer. dropout p=0 -> identity.
    src = edge_index[0]
    dst = edge_index[1]
    h = features
    for i in range(LAYERS):
        msgs = jnp.take(h, src, axis=0)                     # gather  [E, H]
        summed = jax.ops.segment_sum(msgs, dst, num_segments=N)  # scatter-add
        deg = jax.ops.segment_sum(jnp.ones((E,), h.dtype), dst, num_segments=N)
        mean = summed / jnp.clip(deg, 1.0)[:, None]
        h = mean @ W_neigh + b_neigh + h @ W_self + b_self
        if i != LAYERS - 1:
            h = jax.nn.relu(h)
    # hidden_dim (128) != out_dim (64) -> fc_out applied
    h = h @ W_out + b_out
    # h.squeeze(1): out_dim=64 so this is a no-op
    return h

if __name__ == "__main__":
    import jax
    _d = setup_inputs()
    print(jax.jit(kernel)(*tuple(_d.values())))

</pallas_src>

<mosaic_0001>
#map = affine_map<(d0, d1) -> (0, 0)>
#map1 = affine_map<(d0, d1) -> (0, 0, 0)>
#map2 = affine_map<(d0, d1) -> (0)>
module attributes {stable_mosaic.version = 14 : i64} {
  func.func @_sc_agg_body(%arg0: i32, %arg1: i32, %arg2: memref<10000x64xf32, #tpu.memory_space<hbm>>, %arg3: memref<32x97x128xi32, #tpu.memory_space<hbm>>, %arg4: memref<32x97x128xi32, #tpu.memory_space<hbm>>, %arg5: memref<128x64xf32, #tpu.memory_space<hbm>>, %arg6: memref<128xf32, #tpu.memory_space<hbm>>, %arg7: memref<640xf32, #tpu.memory_space<hbm>>, %arg8: memref<2x10240x64xf32, #tpu.memory_space<hbm>>, %arg9: memref<97x128xi32, #tpu.memory_space<vmem>>, %arg10: memref<97x128xi32, #tpu.memory_space<vmem>>, %arg11: memref<128x64xf32, #tpu.memory_space<vmem>>, %arg12: memref<10240x64xf32, #tpu.memory_space<vmem_shared>>, %arg13: memref<128x64xf32, #tpu.memory_space<vmem>>) attributes {dimension_semantics = [#tpu.dimension_semantics<core_parallel>, #tpu.dimension_semantics<subcore_parallel>], iteration_bounds = array<i64: 2, 16>, scalar_prefetch = 0 : i64, scratch_operands = 5 : i64, tpu.core_type = #tpu.core_type<sc_vector_subcore>, window_params = [{transform_indices = #map}, {transform_indices = #map1}, {transform_indices = #map1}, {transform_indices = #map}, {transform_indices = #map2}, {transform_indices = #map2}, {transform_indices = #map1}]} {
    %mul3A = arith.constant 16 : i32
    %mul3A_0 = arith.muli %arg0, %mul3A : i32
    %add3A = arith.addi %mul3A_0, %arg1 : i32
    "tpu.region"() ({
      %run_scoped3A = tpu.sem_alloc : memref<!tpu.dma_semaphore, #tpu.memory_space<semaphore_mem>>
      %dma_start3A = arith.constant 0 : i32
      %dma_start3A_45 = arith.constant 0 : i32
      %dma_start3A_46 = tpu.memref_slice %arg3[%add3A, %dma_start3A, %dma_start3A_45] : memref<32x97x128xi32, #tpu.memory_space<hbm>> -> memref<1x97x128xi32, #tpu.memory_space<hbm>>
      %dma_start3A_47 = tpu.memref_squeeze %dma_start3A_46 : memref<1x97x128xi32, #tpu.memory_space<hbm>> -> memref<97x128xi32, #tpu.memory_space<hbm>>
      %dma_start3A_48 = arith.constant 0 : i32
      %dma_start3A_49 = arith.constant 0 : i32
      %dma_start3A_50 = tpu.memref_slice %arg3[%add3A, %dma_start3A_48, %dma_start3A_49] : memref<32x97x128xi32, #tpu.memory_space<hbm>> -> memref<1x97x128xi32, #tpu.memory_space<hbm>>
      %dma_start3A_51 = tpu.memref_squeeze %dma_start3A_50 : memref<1x97x128xi32, #tpu.memory_space<hbm>> -> memref<97x128xi32, #tpu.memory_space<hbm>>
      tpu.enqueue_dma source(%dma_start3A_51 : memref<97x128xi32, #tpu.memory_space<hbm>>) target(%arg9 : memref<97x128xi32, #tpu.memory_space<vmem>>) target_semaphore(%run_scoped3A : memref<!tpu.dma_semaphore, #tpu.memory_space<semaphore_mem>>)
      %dma_wait3A = arith.constant 0 : i32
      %dma_wait3A_52 = arith.constant 0 : i32
      %dma_wait3A_53 = tpu.memref_slice %arg3[%add3A, %dma_wait3A, %dma_wait3A_52] : memref<32x97x128xi32, #tpu.memory_space<hbm>> -> memref<1x97x128xi32, #tpu.memory_space<hbm>>
      %dma_wait3A_54 = tpu.memref_squeeze %dma_wait3A_53 : memref<1x97x128xi32, #tpu.memory_space<hbm>> -> memref<97x128xi32, #tpu.memory_space<hbm>>
      %dma_wait3A_55 = arith.constant 0 : i32
      %dma_wait3A_56 = arith.constant 0 : i32
      %dma_wait3A_57 = tpu.memref_slice %arg3[%add3A, %dma_wait3A_55, %dma_wait3A_56] : memref<32x97x128xi32, #tpu.memory_space<hbm>> -> memref<1x97x128xi32, #tpu.memory_space<hbm>>
      %dma_wait3A_58 = tpu.memref_squeeze %dma_wait3A_57 : memref<1x97x128xi32, #tpu.memory_space<hbm>> -> memref<97x128xi32, #tpu.memory_space<hbm>>
      tpu.wait_dma2 semaphore(%run_scoped3A : memref<!tpu.dma_semaphore, #tpu.memory_space<semaphore_mem>>) src(%dma_wait3A_58 : memref<97x128xi32, #tpu.memory_space<hbm>>) dst(%arg9 : memref<97x128xi32, #tpu.memory_space<vmem>>)
      tpu.yield
    }) : () -> ()
    "tpu.region"() ({
      %run_scoped3A = tpu.sem_alloc : memref<!tpu.dma_semaphore, #tpu.memory_space<semaphore_mem>>
      %dma_start3A = arith.constant 0 : i32
      %dma_start3A_45 = arith.constant 0 : i32
      %dma_start3A_46 = tpu.memref_slice %arg4[%add3A, %dma_start3A, %dma_start3A_45] : memref<32x97x128xi32, #tpu.memory_space<hbm>> -> memref<1x97x128xi32, #tpu.memory_space<hbm>>
      %dma_start3A_47 = tpu.memref_squeeze %dma_start3A_46 : memref<1x97x128xi32, #tpu.memory_space<hbm>> -> memref<97x128xi32, #tpu.memory_space<hbm>>
      %dma_start3A_48 = arith.constant 0 : i32
      %dma_start3A_49 = arith.constant 0 : i32
      %dma_start3A_50 = tpu.memref_slice %arg4[%add3A, %dma_start3A_48, %dma_start3A_49] : memref<32x97x128xi32, #tpu.memory_space<hbm>> -> memref<1x97x128xi32, #tpu.memory_space<hbm>>
      %dma_start3A_51 = tpu.memref_squeeze %dma_start3A_50 : memref<1x97x128xi32, #tpu.memory_space<hbm>> -> memref<97x128xi32, #tpu.memory_space<hbm>>
      tpu.enqueue_dma source(%dma_start3A_51 : memref<97x128xi32, #tpu.memory_space<hbm>>) target(%arg10 : memref<97x128xi32, #tpu.memory_space<vmem>>) target_semaphore(%run_scoped3A : memref<!tpu.dma_semaphore, #tpu.memory_space<semaphore_mem>>)
      %dma_wait3A = arith.constant 0 : i32
      %dma_wait3A_52 = arith.constant 0 : i32
      %dma_wait3A_53 = tpu.memref_slice %arg4[%add3A, %dma_wait3A, %dma_wait3A_52] : memref<32x97x128xi32, #tpu.memory_space<hbm>> -> memref<1x97x128xi32, #tpu.memory_space<hbm>>
      %dma_wait3A_54 = tpu.memref_squeeze %dma_wait3A_53 : memref<1x97x128xi32, #tpu.memory_space<hbm>> -> memref<97x128xi32, #tpu.memory_space<hbm>>
      %dma_wait3A_55 = arith.constant 0 : i32
      %dma_wait3A_56 = arith.constant 0 : i32
      %dma_wait3A_57 = tpu.memref_slice %arg4[%add3A, %dma_wait3A_55, %dma_wait3A_56] : memref<32x97x128xi32, #tpu.memory_space<hbm>> -> memref<1x97x128xi32, #tpu.memory_space<hbm>>
      %dma_wait3A_58 = tpu.memref_squeeze %dma_wait3A_57 : memref<1x97x128xi32, #tpu.memory_space<hbm>> -> memref<97x128xi32, #tpu.memory_space<hbm>>
      tpu.wait_dma2 semaphore(%run_scoped3A : memref<!tpu.dma_semaphore, #tpu.memory_space<semaphore_mem>>) src(%dma_wait3A_58 : memref<97x128xi32, #tpu.memory_space<hbm>>) dst(%arg10 : memref<97x128xi32, #tpu.memory_space<vmem>>)
      tpu.yield
    }) : () -> ()
    "tpu.region"() ({
      %run_scoped3A = tpu.sem_alloc : memref<!tpu.dma_semaphore, #tpu.memory_space<semaphore_mem>>
      tpu.enqueue_dma source(%arg5 : memref<128x64xf32, #tpu.memory_space<hbm>>) target(%arg11 : memref<128x64xf32, #tpu.memory_space<vmem>>) target_semaphore(%run_scoped3A : memref<!tpu.dma_semaphore, #tpu.memory_space<semaphore_mem>>)
      tpu.wait_dma2 semaphore(%run_scoped3A : memref<!tpu.dma_semaphore, #tpu.memory_space<semaphore_mem>>) src(%arg5 : memref<128x64xf32, #tpu.memory_space<hbm>>) dst(%arg11 : memref<128x64xf32, #tpu.memory_space<vmem>>)
      tpu.yield
    }) : () -> ()
    %mul3A_1 = arith.constant 640 : i32
    %mul3A_2 = arith.muli %arg1, %mul3A_1 : i32
    %add3A_3 = arith.constant 0 : i32
    %add3A_4 = arith.addi %mul3A_2, %add3A_3 : i32
    "tpu.region"() ({
      %run_scoped3A = tpu.sem_alloc : memref<!tpu.dma_semaphore, #tpu.memory_space<semaphore_mem>>
      %dma_start3A = arith.constant 0 : i32
      %dma_start3A_45 = arith.constant 0 : i32
      %dma_start3A_46 = tpu.memref_slice %arg11[%dma_start3A, %dma_start3A_45] : memref<128x64xf32, #tpu.memory_space<vmem>> -> memref<128x64xf32, #tpu.memory_space<vmem>>
      %dma_start3A_47 = arith.constant 0 : i32
      %dma_start3A_48 = tpu.memref_slice %arg12[%add3A_4, %dma_start3A_47] : memref<10240x64xf32, #tpu.memory_space<vmem_shared>> -> memref<128x64xf32, #tpu.memory_space<vmem_shared>>
      %dma_start3A_49 = arith.constant 0 : i32
      %dma_start3A_50 = tpu.memref_slice %arg12[%add3A_4, %dma_start3A_49] : memref<10240x64xf32, #tpu.memory_space<vmem_shared>> -> memref<128x64xf32, #tpu.memory_space<vmem_shared>>
      %dma_start3A_51 = arith.constant 0 : i32
      %dma_start3A_52 = arith.constant 0 : i32
      %dma_start3A_53 = tpu.memref_slice %arg11[%dma_start3A_51, %dma_start3A_52] : memref<128x64xf32, #tpu.memory_space<vmem>> -> memref<128x64xf32, #tpu.memory_space<vmem>>
      tpu.enqueue_dma source(%dma_start3A_53 : memref<128x64xf32, #tpu.memory_space<vmem>>) target(%dma_start3A_50 : memref<128x64xf32, #tpu.memory_space<vmem_shared>>) target_semaphore(%run_scoped3A : memref<!tpu.dma_semaphore, #tpu.memory_space<semaphore_mem>>)
      %dma_wait3A = arith.constant 0 : i32
      %dma_wait3A_54 = arith.constant 0 : i32
      %dma_wait3A_55 = tpu.memref_slice %arg11[%dma_wait3A, %dma_wait3A_54] : memref<128x64xf32, #tpu.memory_space<vmem>> -> memref<128x64xf32, #tpu.memory_space<vmem>>
      %dma_wait3A_56 = arith.constant 0 : i32
      %dma_wait3A_57 = tpu.memref_slice %arg12[%add3A_4, %dma_wait3A_56] : memref<10240x64xf32, #tpu.memory_space<vmem_shared>> -> memref<128x64xf32, #tpu.memory_space<vmem_shared>>
      %dma_wait3A_58 = arith.constant 0 : i32
      %dma_wait3A_59 = tpu.memref_slice %arg12[%add3A_4, %dma_wait3A_58] : memref<10240x64xf32, #tpu.memory_space<vmem_shared>> -> memref<128x64xf32, #tpu.memory_space<vmem_shared>>
      %dma_wait3A_60 = arith.constant 0 : i32
      %dma_wait3A_61 = arith.constant 0 : i32
      %dma_wait3A_62 = tpu.memref_slice %arg11[%dma_wait3A_60, %dma_wait3A_61] : memref<128x64xf32, #tpu.memory_space<vmem>> -> memref<128x64xf32, #tpu.memory_space<vmem>>
      tpu.wait_dma2 semaphore(%run_scoped3A : memref<!tpu.dma_semaphore, #tpu.memory_space<semaphore_mem>>) src(%dma_wait3A_62 : memref<128x64xf32, #tpu.memory_space<vmem>>) dst(%dma_wait3A_59 : memref<128x64xf32, #tpu.memory_space<vmem_shared>>)
      tpu.yield
    }) : () -> ()
    %add3A_5 = arith.constant 128 : i32
    %add3A_6 = arith.addi %mul3A_2, %add3A_5 : i32
    "tpu.region"() ({
      %run_scoped3A = tpu.sem_alloc : memref<!tpu.dma_semaphore, #tpu.memory_space<semaphore_mem>>
      %dma_start3A = arith.constant 0 : i32
      %dma_start3A_45 = arith.constant 0 : i32
      %dma_start3A_46 = tpu.memref_slice %arg11[%dma_start3A, %dma_start3A_45] : memref<128x64xf32, #tpu.memory_space<vmem>> -> memref<128x64xf32, #tpu.memory_space<vmem>>
      %dma_start3A_47 = arith.constant 0 : i32
      %dma_start3A_48 = tpu.memref_slice %arg12[%add3A_6, %dma_start3A_47] : memref<10240x64xf32, #tpu.memory_space<vmem_shared>> -> memref<128x64xf32, #tpu.memory_space<vmem_shared>>
      %dma_start3A_49 = arith.constant 0 : i32
      %dma_start3A_50 = tpu.memref_slice %arg12[%add3A_6, %dma_start3A_49] : memref<10240x64xf32, #tpu.memory_space<vmem_shared>> -> memref<128x64xf32, #tpu.memory_space<vmem_shared>>
      %dma_start3A_51 = arith.constant 0 : i32
      %dma_start3A_52 = arith.constant 0 : i32
      %dma_start3A_53 = tpu.memref_slice %arg11[%dma_start3A_51, %dma_start3A_52] : memref<128x64xf32, #tpu.memory_space<vmem>> -> memref<128x64xf32, #tpu.memory_space<vmem>>
      tpu.enqueue_dma source(%dma_start3A_53 : memref<128x64xf32, #tpu.memory_space<vmem>>) target(%dma_start3A_50 : memref<128x64xf32, #tpu.memory_space<vmem_shared>>) target_semaphore(%run_scoped3A : memref<!tpu.dma_semaphore, #tpu.memory_space<semaphore_mem>>)
      %dma_wait3A = arith.constant 0 : i32
      %dma_wait3A_54 = arith.constant 0 : i32
      %dma_wait3A_55 = tpu.memref_slice %arg11[%dma_wait3A, %dma_wait3A_54] : memref<128x64xf32, #tpu.memory_space<vmem>> -> memref<128x64xf32, #tpu.memory_space<vmem>>
      %dma_wait3A_56 = arith.constant 0 : i32
      %dma_wait3A_57 = tpu.memref_slice %arg12[%add3A_6, %dma_wait3A_56] : memref<10240x64xf32, #tpu.memory_space<vmem_shared>> -> memref<128x64xf32, #tpu.memory_space<vmem_shared>>
      %dma_wait3A_58 = arith.constant 0 : i32
      %dma_wait3A_59 = tpu.memref_slice %arg12[%add3A_6, %dma_wait3A_58] : memref<10240x64xf32, #tpu.memory_space<vmem_shared>> -> memref<128x64xf32, #tpu.memory_space<vmem_shared>>
      %dma_wait3A_60 = arith.constant 0 : i32
      %dma_wait3A_61 = arith.constant 0 : i32
      %dma_wait3A_62 = tpu.memref_slice %arg11[%dma_wait3A_60, %dma_wait3A_61] : memref<128x64xf32, #tpu.memory_space<vmem>> -> memref<128x64xf32, #tpu.memory_space<vmem>>
      tpu.wait_dma2 semaphore(%run_scoped3A : memref<!tpu.dma_semaphore, #tpu.memory_space<semaphore_mem>>) src(%dma_wait3A_62 : memref<128x64xf32, #tpu.memory_space<vmem>>) dst(%dma_wait3A_59 : memref<128x64xf32, #tpu.memory_space<vmem_shared>>)
      tpu.yield
    }) : () -> ()
    %add3A_7 = arith.constant 256 : i32
    %add3A_8 = arith.addi %mul3A_2, %add3A_7 : i32
    "tpu.region"() ({
      %run_scoped3A = tpu.sem_alloc : memref<!tpu.dma_semaphore, #tpu.memory_space<semaphore_mem>>
      %dma_start3A = arith.constant 0 : i32
      %dma_start3A_45 = arith.constant 0 : i32
      %dma_start3A_46 = tpu.memref_slice %arg11[%dma_start3A, %dma_start3A_45] : memref<128x64xf32, #tpu.memory_space<vmem>> -> memref<128x64xf32, #tpu.memory_space<vmem>>
      %dma_start3A_47 = arith.constant 0 : i32
      %dma_start3A_48 = tpu.memref_slice %arg12[%add3A_8, %dma_start3A_47] : memref<10240x64xf32, #tpu.memory_space<vmem_shared>> -> memref<128x64xf32, #tpu.memory_space<vmem_shared>>
      %dma_start3A_49 = arith.constant 0 : i32
      %dma_start3A_50 = tpu.memref_slice %arg12[%add3A_8, %dma_start3A_49] : memref<10240x64xf32, #tpu.memory_space<vmem_shared>> -> memref<128x64xf32, #tpu.memory_space<vmem_shared>>
      %dma_start3A_51 = arith.constant 0 : i32
      %dma_start3A_52 = arith.constant 0 : i32
      %dma_start3A_53 = tpu.memref_slice %arg11[%dma_start3A_51, %dma_start3A_52] : memref<128x64xf32, #tpu.memory_space<vmem>> -> memref<128x64xf32, #tpu.memory_space<vmem>>
      tpu.enqueue_dma source(%dma_start3A_53 : memref<128x64xf32, #tpu.memory_space<vmem>>) target(%dma_start3A_50 : memref<128x64xf32, #tpu.memory_space<vmem_shared>>) target_semaphore(%run_scoped3A : memref<!tpu.dma_semaphore, #tpu.memory_space<semaphore_mem>>)
      %dma_wait3A = arith.constant 0 : i32
      %dma_wait3A_54 = arith.constant 0 : i32
      %dma_wait3A_55 = tpu.memref_slice %arg11[%dma_wait3A, %dma_wait3A_54] : memref<128x64xf32, #tpu.memory_space<vmem>> -> memref<128x64xf32, #tpu.memory_space<vmem>>
      %dma_wait3A_56 = arith.constant 0 : i32
      %dma_wait3A_57 = tpu.memref_slice %arg12[%add3A_8, %dma_wait3A_56] : memref<10240x64xf32, #tpu.memory_space<vmem_shared>> -> memref<128x64xf32, #tpu.memory_space<vmem_shared>>
      %dma_wait3A_58 = arith.constant 0 : i32
      %dma_wait3A_59 = tpu.memref_slice %arg12[%add3A_8, %dma_wait3A_58] : memref<10240x64xf32, #tpu.memory_space<vmem_shared>> -> memref<128x64xf32, #tpu.memory_space<vmem_shared>>
      %dma_wait3A_60 = arith.constant 0 : i32
      %dma_wait3A_61 = arith.constant 0 : i32
      %dma_wait3A_62 = tpu.memref_slice %arg11[%dma_wait3A_60, %dma_wait3A_61] : memref<128x64xf32, #tpu.memory_space<vmem>> -> memref<128x64xf32, #tpu.memory_space<vmem>>
      tpu.wait_dma2 semaphore(%run_scoped3A : memref<!tpu.dma_semaphore, #tpu.memory_space<semaphore_mem>>) src(%dma_wait3A_62 : memref<128x64xf32, #tpu.memory_space<vmem>>) dst(%dma_wait3A_59 : memref<128x64xf32, #tpu.memory_space<vmem_shared>>)
      tpu.yield
    }) : () -> ()
    %add3A_9 = arith.constant 384 : i32
    %add3A_10 = arith.addi %mul3A_2, %add3A_9 : i32
    "tpu.region"() ({
      %run_scoped3A = tpu.sem_alloc : memref<!tpu.dma_semaphore, #tpu.memory_space<semaphore_mem>>
      %dma_start3A = arith.constant 0 : i32
      %dma_start3A_45 = arith.constant 0 : i32
      %dma_start3A_46 = tpu.memref_slice %arg11[%dma_start3A, %dma_start3A_45] : memref<128x64xf32, #tpu.memory_space<vmem>> -> memref<128x64xf32, #tpu.memory_space<vmem>>
      %dma_start3A_47 = arith.constant 0 : i32
      %dma_start3A_48 = tpu.memref_slice %arg12[%add3A_10, %dma_start3A_47] : memref<10240x64xf32, #tpu.memory_space<vmem_shared>> -> memref<128x64xf32, #tpu.memory_space<vmem_shared>>
      %dma_start3A_49 = arith.constant 0 : i32
      %dma_start3A_50 = tpu.memref_slice %arg12[%add3A_10, %dma_start3A_49] : memref<10240x64xf32, #tpu.memory_space<vmem_shared>> -> memref<128x64xf32, #tpu.memory_space<vmem_shared>>
      %dma_start3A_51 = arith.constant 0 : i32
      %dma_start3A_52 = arith.constant 0 : i32
      %dma_start3A_53 = tpu.memref_slice %arg11[%dma_start3A_51, %dma_start3A_52] : memref<128x64xf32, #tpu.memory_space<vmem>> -> memref<128x64xf32, #tpu.memory_space<vmem>>
      tpu.enqueue_dma source(%dma_start3A_53 : memref<128x64xf32, #tpu.memory_space<vmem>>) target(%dma_start3A_50 : memref<128x64xf32, #tpu.memory_space<vmem_shared>>) target_semaphore(%run_scoped3A : memref<!tpu.dma_semaphore, #tpu.memory_space<semaphore_mem>>)
      %dma_wait3A = arith.constant 0 : i32
      %dma_wait3A_54 = arith.constant 0 : i32
      %dma_wait3A_55 = tpu.memref_slice %arg11[%dma_wait3A, %dma_wait3A_54] : memref<128x64xf32, #tpu.memory_space<vmem>> -> memref<128x64xf32, #tpu.memory_space<vmem>>
      %dma_wait3A_56 = arith.constant 0 : i32
      %dma_wait3A_57 = tpu.memref_slice %arg12[%add3A_10, %dma_wait3A_56] : memref<10240x64xf32, #tpu.memory_space<vmem_shared>> -> memref<128x64xf32, #tpu.memory_space<vmem_shared>>
      %dma_wait3A_58 = arith.constant 0 : i32
      %dma_wait3A_59 = tpu.memref_slice %arg12[%add3A_10, %dma_wait3A_58] : memref<10240x64xf32, #tpu.memory_space<vmem_shared>> -> memref<128x64xf32, #tpu.memory_space<vmem_shared>>
      %dma_wait3A_60 = arith.constant 0 : i32
      %dma_wait3A_61 = arith.constant 0 : i32
      %dma_wait3A_62 = tpu.memref_slice %arg11[%dma_wait3A_60, %dma_wait3A_61] : memref<128x64xf32, #tpu.memory_space<vmem>> -> memref<128x64xf32, #tpu.memory_space<vmem>>
      tpu.wait_dma2 semaphore(%run_scoped3A : memref<!tpu.dma_semaphore, #tpu.memory_space<semaphore_mem>>) src(%dma_wait3A_62 : memref<128x64xf32, #tpu.memory_space<vmem>>) dst(%dma_wait3A_59 : memref<128x64xf32, #tpu.memory_space<vmem_shared>>)
      tpu.yield
    }) : () -> ()
    %add3A_11 = arith.constant 512 : i32
    %add3A_12 = arith.addi %mul3A_2, %add3A_11 : i32
    "tpu.region"() ({
      %run_scoped3A = tpu.sem_alloc : memref<!tpu.dma_semaphore, #tpu.memory_space<semaphore_mem>>
      %dma_start3A = arith.constant 0 : i32
      %dma_start3A_45 = arith.constant 0 : i32
      %dma_start3A_46 = tpu.memref_slice %arg11[%dma_start3A, %dma_start3A_45] : memref<128x64xf32, #tpu.memory_space<vmem>> -> memref<128x64xf32, #tpu.memory_space<vmem>>
      %dma_start3A_47 = arith.constant 0 : i32
      %dma_start3A_48 = tpu.memref_slice %arg12[%add3A_12, %dma_start3A_47] : memref<10240x64xf32, #tpu.memory_space<vmem_shared>> -> memref<128x64xf32, #tpu.memory_space<vmem_shared>>
      %dma_start3A_49 = arith.constant 0 : i32
      %dma_start3A_50 = tpu.memref_slice %arg12[%add3A_12, %dma_start3A_49] : memref<10240x64xf32, #tpu.memory_space<vmem_shared>> -> memref<128x64xf32, #tpu.memory_space<vmem_shared>>
      %dma_start3A_51 = arith.constant 0 : i32
      %dma_start3A_52 = arith.constant 0 : i32
      %dma_start3A_53 = tpu.memref_slice %arg11[%dma_start3A_51, %dma_start3A_52] : memref<128x64xf32, #tpu.memory_space<vmem>> -> memref<128x64xf32, #tpu.memory_space<vmem>>
      tpu.enqueue_dma source(%dma_start3A_53 : memref<128x64xf32, #tpu.memory_space<vmem>>) target(%dma_start3A_50 : memref<128x64xf32, #tpu.memory_space<vmem_shared>>) target_semaphore(%run_scoped3A : memref<!tpu.dma_semaphore, #tpu.memory_space<semaphore_mem>>)
      %dma_wait3A = arith.constant 0 : i32
      %dma_wait3A_54 = arith.constant 0 : i32
      %dma_wait3A_55 = tpu.memref_slice %arg11[%dma_wait3A, %dma_wait3A_54] : memref<128x64xf32, #tpu.memory_space<vmem>> -> memref<128x64xf32, #tpu.memory_space<vmem>>
      %dma_wait3A_56 = arith.constant 0 : i32
      %dma_wait3A_57 = tpu.memref_slice %arg12[%add3A_12, %dma_wait3A_56] : memref<10240x64xf32, #tpu.memory_space<vmem_shared>> -> memref<128x64xf32, #tpu.memory_space<vmem_shared>>
      %dma_wait3A_58 = arith.constant 0 : i32
      %dma_wait3A_59 = tpu.memref_slice %arg12[%add3A_12, %dma_wait3A_58] : memref<10240x64xf32, #tpu.memory_space<vmem_shared>> -> memref<128x64xf32, #tpu.memory_space<vmem_shared>>
      %dma_wait3A_60 = arith.constant 0 : i32
      %dma_wait3A_61 = arith.constant 0 : i32
      %dma_wait3A_62 = tpu.memref_slice %arg11[%dma_wait3A_60, %dma_wait3A_61] : memref<128x64xf32, #tpu.memory_space<vmem>> -> memref<128x64xf32, #tpu.memory_space<vmem>>
      tpu.wait_dma2 semaphore(%run_scoped3A : memref<!tpu.dma_semaphore, #tpu.memory_space<semaphore_mem>>) src(%dma_wait3A_62 : memref<128x64xf32, #tpu.memory_space<vmem>>) dst(%dma_wait3A_59 : memref<128x64xf32, #tpu.memory_space<vmem_shared>>)
      tpu.yield
    }) : () -> ()
    %barrier3A = arith.constant 0 : index
    tpu.barrier barrier_id(%barrier3A)
    %eq3A = arith.constant 0 : i32
    %eq3A_13 = arith.cmpi eq, %arg0, %eq3A : i32
    %jit3A = arith.constant 97 : i32
    %jit3A_14 = arith.constant 61 : i32
    %select_n3A = arith.select %eq3A_13, %jit3A, %jit3A_14 : i32
    %while3A = arith.constant 0 : i32
    %while3A_15 = arith.constant 0 : i32
    %while3A_16 = arith.subi %select_n3A, %while3A_15 : i32
    %while3A_17 = arith.addi %while3A_15, %while3A_16 : i32
    %while3A_18 = arith.constant 1 : i32
    %while3A_19 = arith.divsi %while3A_16, %while3A_18 : i32
    %while3A_20 = arith.muli %while3A_19, %while3A_18 : i32
    %while3A_21 = arith.addi %while3A_15, %while3A_20 : i32
    %while3A_22 = arith.constant 1 : i32
    scf.for %while3A_45 = %while3A_15 to %while3A_21 step %while3A_22  : i32 {
      "tpu.region"() ({
        %run_scoped3A = tpu.sem_alloc : memref<!tpu.dma_semaphore, #tpu.memory_space<semaphore_mem>>
        %dma_start3A = arith.constant 0 : i32
        %dma_start3A_46 = tpu.memref_slice %arg9[%while3A_45, %dma_start3A] : memref<97x128xi32, #tpu.memory_space<vmem>> -> memref<1x128xi32, #tpu.memory_space<vmem>>
        %dma_start3A_47 = tpu.memref_squeeze %dma_start3A_46 : memref<1x128xi32, #tpu.memory_space<vmem>> -> memref<128xi32, #tpu.memory_space<vmem>>
        %dma_start3A_48 = arith.constant 0 : i32
        %dma_start3A_49 = arith.constant 0 : i32
        %dma_start3A_50 = tpu.memref_slice %arg2[%dma_start3A_48, %dma_start3A_49] : memref<10000x64xf32, #tpu.memory_space<hbm>> -> memref<10000x64xf32, #tpu.memory_space<hbm>>
        tpu.enqueue_indirect_dma source(%dma_start3A_50 : memref<10000x64xf32, #tpu.memory_space<hbm>>) target(%arg13 : memref<128x64xf32, #tpu.memory_space<vmem>>) offsets(%dma_start3A_47 : memref<128xi32, #tpu.memory_space<vmem>>) semaphore(%run_scoped3A : memref<!tpu.dma_semaphore, #tpu.memory_space<semaphore_mem>>)
        %dma_wait3A = arith.constant 0 : i32
        %dma_wait3A_51 = tpu.memref_slice %arg9[%while3A_45, %dma_wait3A] : memref<97x128xi32, #tpu.memory_space<vmem>> -> memref<1x128xi32, #tpu.memory_space<vmem>>
        %dma_wait3A_52 = tpu.memref_squeeze %dma_wait3A_51 : memref<1x128xi32, #tpu.memory_space<vmem>> -> memref<128xi32, #tpu.memory_space<vmem>>
        %dma_wait3A_53 = arith.constant 0 : i32
        %dma_wait3A_54 = arith.constant 0 : i32
        %dma_wait3A_55 = tpu.memref_slice %arg2[%dma_wait3A_53, %dma_wait3A_54] : memref<10000x64xf32, #tpu.memory_space<hbm>> -> memref<10000x64xf32, #tpu.memory_space<hbm>>
        tpu.wait_indirect_dma semaphore(%run_scoped3A : memref<!tpu.dma_semaphore, #tpu.memory_space<semaphore_mem>>) src(%dma_wait3A_55 : memref<10000x64xf32, #tpu.memory_space<hbm>>) dst(%arg13 : memref<128x64xf32, #tpu.memory_space<vmem>>)
        tpu.yield
      }) : () -> ()
      "tpu.region"() ({
        %run_scoped3A = tpu.sem_alloc : memref<!tpu.dma_semaphore, #tpu.memory_space<semaphore_mem>>
        %dma_start3A = arith.constant 0 : i32
        %dma_start3A_46 = tpu.memref_slice %arg10[%while3A_45, %dma_start3A] : memref<97x128xi32, #tpu.memory_space<vmem>> -> memref<1x128xi32, #tpu.memory_space<vmem>>
        %dma_start3A_47 = tpu.memref_squeeze %dma_start3A_46 : memref<1x128xi32, #tpu.memory_space<vmem>> -> memref<128xi32, #tpu.memory_space<vmem>>
        %dma_start3A_48 = arith.constant 0 : i32
        %dma_start3A_49 = arith.constant 0 : i32
        %dma_start3A_50 = tpu.memref_slice %arg12[%dma_start3A_48, %dma_start3A_49] : memref<10240x64xf32, #tpu.memory_space<vmem_shared>> -> memref<10240x64xf32, #tpu.memory_space<vmem_shared>>
        tpu.enqueue_indirect_dma source(%arg13 : memref<128x64xf32, #tpu.memory_space<vmem>>) target(%dma_start3A_50 : memref<10240x64xf32, #tpu.memory_space<vmem_shared>>) offsets(%dma_start3A_47 : memref<128xi32, #tpu.memory_space<vmem>>) semaphore(%run_scoped3A : memref<!tpu.dma_semaphore, #tpu.memory_space<semaphore_mem>>) {add = true}
        %dma_wait3A = arith.constant 0 : i32
        %dma_wait3A_51 = tpu.memref_slice %arg10[%while3A_45, %dma_wait3A] : memref<97x128xi32, #tpu.memory_space<vmem>> -> memref<1x128xi32, #tpu.memory_space<vmem>>
        %dma_wait3A_52 = tpu.memref_squeeze %dma_wait3A_51 : memref<1x128xi32, #tpu.memory_space<vmem>> -> memref<128xi32, #tpu.memory_space<vmem>>
        %dma_wait3A_53 = arith.constant 0 : i32
        %dma_wait3A_54 = arith.constant 0 : i32
        %dma_wait3A_55 = tpu.memref_slice %arg12[%dma_wait3A_53, %dma_wait3A_54] : memref<10240x64xf32, #tpu.memory_space<vmem_shared>> -> memref<10240x64xf32, #tpu.memory_space<vmem_shared>>
        tpu.wait_indirect_dma semaphore(%run_scoped3A : memref<!tpu.dma_semaphore, #tpu.memory_space<semaphore_mem>>) src(%arg13 : memref<128x64xf32, #tpu.memory_space<vmem>>) dst(%dma_wait3A_55 : memref<10240x64xf32, #tpu.memory_space<vmem_shared>>)
        tpu.yield
      }) : () -> ()
    }
    %while3A_23 = arith.constant 1 : i32
    scf.for %while3A_45 = %while3A_21 to %while3A_17 step %while3A_23  : i32 {
      "tpu.region"() ({
        %run_scoped3A = tpu.sem_alloc : memref<!tpu.dma_semaphore, #tpu.memory_space<semaphore_mem>>
        %dma_start3A = arith.constant 0 : i32
        %dma_start3A_46 = tpu.memref_slice %arg9[%while3A_45, %dma_start3A] : memref<97x128xi32, #tpu.memory_space<vmem>> -> memref<1x128xi32, #tpu.memory_space<vmem>>
        %dma_start3A_47 = tpu.memref_squeeze %dma_start3A_46 : memref<1x128xi32, #tpu.memory_space<vmem>> -> memref<128xi32, #tpu.memory_space<vmem>>
        %dma_start3A_48 = arith.constant 0 : i32
        %dma_start3A_49 = arith.constant 0 : i32
        %dma_start3A_50 = tpu.memref_slice %arg2[%dma_start3A_48, %dma_start3A_49] : memref<10000x64xf32, #tpu.memory_space<hbm>> -> memref<10000x64xf32, #tpu.memory_space<hbm>>
        tpu.enqueue_indirect_dma source(%dma_start3A_50 : memref<10000x64xf32, #tpu.memory_space<hbm>>) target(%arg13 : memref<128x64xf32, #tpu.memory_space<vmem>>) offsets(%dma_start3A_47 : memref<128xi32, #tpu.memory_space<vmem>>) semaphore(%run_scoped3A : memref<!tpu.dma_semaphore, #tpu.memory_space<semaphore_mem>>)
        %dma_wait3A = arith.constant 0 : i32
        %dma_wait3A_51 = tpu.memref_slice %arg9[%while3A_45, %dma_wait3A] : memref<97x128xi32, #tpu.memory_space<vmem>> -> memref<1x128xi32, #tpu.memory_space<vmem>>
        %dma_wait3A_52 = tpu.memref_squeeze %dma_wait3A_51 : memref<1x128xi32, #tpu.memory_space<vmem>> -> memref<128xi32, #tpu.memory_space<vmem>>
        %dma_wait3A_53 = arith.constant 0 : i32
        %dma_wait3A_54 = arith.constant 0 : i32
        %dma_wait3A_55 = tpu.memref_slice %arg2[%dma_wait3A_53, %dma_wait3A_54] : memref<10000x64xf32, #tpu.memory_space<hbm>> -> memref<10000x64xf32, #tpu.memory_space<hbm>>
        tpu.wait_indirect_dma semaphore(%run_scoped3A : memref<!tpu.dma_semaphore, #tpu.memory_space<semaphore_mem>>) src(%dma_wait3A_55 : memref<10000x64xf32, #tpu.memory_space<hbm>>) dst(%arg13 : memref<128x64xf32, #tpu.memory_space<vmem>>)
        tpu.yield
      }) : () -> ()
      "tpu.region"() ({
        %run_scoped3A = tpu.sem_alloc : memref<!tpu.dma_semaphore, #tpu.memory_space<semaphore_mem>>
        %dma_start3A = arith.constant 0 : i32
        %dma_start3A_46 = tpu.memref_slice %arg10[%while3A_45, %dma_start3A] : memref<97x128xi32, #tpu.memory_space<vmem>> -> memref<1x128xi32, #tpu.memory_space<vmem>>
        %dma_start3A_47 = tpu.memref_squeeze %dma_start3A_46 : memref<1x128xi32, #tpu.memory_space<vmem>> -> memref<128xi32, #tpu.memory_space<vmem>>
        %dma_start3A_48 = arith.constant 0 : i32
        %dma_start3A_49 = arith.constant 0 : i32
        %dma_start3A_50 = tpu.memref_slice %arg12[%dma_start3A_48, %dma_start3A_49] : memref<10240x64xf32, #tpu.memory_space<vmem_shared>> -> memref<10240x64xf32, #tpu.memory_space<vmem_shared>>
        tpu.enqueue_indirect_dma source(%arg13 : memref<128x64xf32, #tpu.memory_space<vmem>>) target(%dma_start3A_50 : memref<10240x64xf32, #tpu.memory_space<vmem_shared>>) offsets(%dma_start3A_47 : memref<128xi32, #tpu.memory_space<vmem>>) semaphore(%run_scoped3A : memref<!tpu.dma_semaphore, #tpu.memory_space<semaphore_mem>>) {add = true}
        %dma_wait3A = arith.constant 0 : i32
        %dma_wait3A_51 = tpu.memref_slice %arg10[%while3A_45, %dma_wait3A] : memref<97x128xi32, #tpu.memory_space<vmem>> -> memref<1x128xi32, #tpu.memory_space<vmem>>
        %dma_wait3A_52 = tpu.memref_squeeze %dma_wait3A_51 : memref<1x128xi32, #tpu.memory_space<vmem>> -> memref<128xi32, #tpu.memory_space<vmem>>
        %dma_wait3A_53 = arith.constant 0 : i32
        %dma_wait3A_54 = arith.constant 0 : i32
        %dma_wait3A_55 = tpu.memref_slice %arg12[%dma_wait3A_53, %dma_wait3A_54] : memref<10240x64xf32, #tpu.memory_space<vmem_shared>> -> memref<10240x64xf32, #tpu.memory_space<vmem_shared>>
        tpu.wait_indirect_dma semaphore(%run_scoped3A : memref<!tpu.dma_semaphore, #tpu.memory_space<semaphore_mem>>) src(%arg13 : memref<128x64xf32, #tpu.memory_space<vmem>>) dst(%dma_wait3A_55 : memref<10240x64xf32, #tpu.memory_space<vmem_shared>>)
        tpu.yield
      }) : () -> ()
    }
    %barrier3A_24 = arith.constant 0 : index
    tpu.barrier barrier_id(%barrier3A_24)
    %add3A_25 = arith.constant 0 : i32
    %add3A_26 = arith.addi %mul3A_2, %add3A_25 : i32
    %add3A_27 = arith.constant 0 : i32
    %add3A_28 = arith.addi %mul3A_2, %add3A_27 : i32
    "tpu.region"() ({
      %run_scoped3A = tpu.sem_alloc : memref<!tpu.dma_semaphore, #tpu.memory_space<semaphore_mem>>
      %dma_start3A = arith.constant 0 : i32
      %dma_start3A_45 = tpu.memref_slice %arg8[%arg0, %add3A_28, %dma_start3A] : memref<2x10240x64xf32, #tpu.memory_space<hbm>> -> memref<1x128x64xf32, #tpu.memory_space<hbm>>
      %dma_start3A_46 = tpu.memref_squeeze %dma_start3A_45 : memref<1x128x64xf32, #tpu.memory_space<hbm>> -> memref<128x64xf32, #tpu.memory_space<hbm>>
      %dma_start3A_47 = arith.constant 0 : i32
      %dma_start3A_48 = tpu.memref_slice %arg12[%add3A_26, %dma_start3A_47] : memref<10240x64xf32, #tpu.memory_space<vmem_shared>> -> memref<128x64xf32, #tpu.memory_space<vmem_shared>>
      tpu.enqueue_dma source(%dma_start3A_48 : memref<128x64xf32, #tpu.memory_space<vmem_shared>>) target(%dma_start3A_46 : memref<128x64xf32, #tpu.memory_space<hbm>>) target_semaphore(%run_scoped3A : memref<!tpu.dma_semaphore, #tpu.memory_space<semaphore_mem>>)
      %dma_wait3A = arith.constant 0 : i32
      %dma_wait3A_49 = tpu.memref_slice %arg8[%arg0, %add3A_28, %dma_wait3A] : memref<2x10240x64xf32, #tpu.memory_space<hbm>> -> memref<1x128x64xf32, #tpu.memory_space<hbm>>
      %dma_wait3A_50 = tpu.memref_squeeze %dma_wait3A_49 : memref<1x128x64xf32, #tpu.memory_space<hbm>> -> memref<128x64xf32, #tpu.memory_space<hbm>>
      %dma_wait3A_51 = arith.constant 0 : i32
      %dma_wait3A_52 = tpu.memref_slice %arg12[%add3A_26, %dma_wait3A_51] : memref<10240x64xf32, #tpu.memory_space<vmem_shared>> -> memref<128x64xf32, #tpu.memory_space<vmem_shared>>
      tpu.wait_dma2 semaphore(%run_scoped3A : memref<!tpu.dma_semaphore, #tpu.memory_space<semaphore_mem>>) src(%dma_wait3A_52 : memref<128x64xf32, #tpu.memory_space<vmem_shared>>) dst(%dma_wait3A_50 : memref<128x64xf32, #tpu.memory_space<hbm>>)
      tpu.yield
    }) : () -> ()
    %add3A_29 = arith.constant 128 : i32
    %add3A_30 = arith.addi %mul3A_2, %add3A_29 : i32
    %add3A_31 = arith.constant 128 : i32
    %add3A_32 = arith.addi %mul3A_2, %add3A_31 : i32
    "tpu.region"() ({
      %run_scoped3A = tpu.sem_alloc : memref<!tpu.dma_semaphore, #tpu.memory_space<semaphore_mem>>
      %dma_start3A = arith.constant 0 : i32
      %dma_start3A_45 = tpu.memref_slice %arg8[%arg0, %add3A_32, %dma_start3A] : memref<2x10240x64xf32, #tpu.memory_space<hbm>> -> memref<1x128x64xf32, #tpu.memory_space<hbm>>
      %dma_start3A_46 = tpu.memref_squeeze %dma_start3A_45 : memref<1x128x64xf32, #tpu.memory_space<hbm>> -> memref<128x64xf32, #tpu.memory_space<hbm>>
      %dma_start3A_47 = arith.constant 0 : i32
      %dma_start3A_48 = tpu.memref_slice %arg12[%add3A_30, %dma_start3A_47] : memref<10240x64xf32, #tpu.memory_space<vmem_shared>> -> memref<128x64xf32, #tpu.memory_space<vmem_shared>>
      tpu.enqueue_dma source(%dma_start3A_48 : memref<128x64xf32, #tpu.memory_space<vmem_shared>>) target(%dma_start3A_46 : memref<128x64xf32, #tpu.memory_space<hbm>>) target_semaphore(%run_scoped3A : memref<!tpu.dma_semaphore, #tpu.memory_space<semaphore_mem>>)
      %dma_wait3A = arith.constant 0 : i32
      %dma_wait3A_49 = tpu.memref_slice %arg8[%arg0, %add3A_32, %dma_wait3A] : memref<2x10240x64xf32, #tpu.memory_space<hbm>> -> memref<1x128x64xf32, #tpu.memory_space<hbm>>
      %dma_wait3A_50 = tpu.memref_squeeze %dma_wait3A_49 : memref<1x128x64xf32, #tpu.memory_space<hbm>> -> memref<128x64xf32, #tpu.memory_space<hbm>>
      %dma_wait3A_51 = arith.constant 0 : i32
      %dma_wait3A_52 = tpu.memref_slice %arg12[%add3A_30, %dma_wait3A_51] : memref<10240x64xf32, #tpu.memory_space<vmem_shared>> -> memref<128x64xf32, #tpu.memory_space<vmem_shared>>
      tpu.wait_dma2 semaphore(%run_scoped3A : memref<!tpu.dma_semaphore, #tpu.memory_space<semaphore_mem>>) src(%dma_wait3A_52 : memref<128x64xf32, #tpu.memory_space<vmem_shared>>) dst(%dma_wait3A_50 : memref<128x64xf32, #tpu.memory_space<hbm>>)
      tpu.yield
    }) : () -> ()
    %add3A_33 = arith.constant 256 : i32
    %add3A_34 = arith.addi %mul3A_2, %add3A_33 : i32
    %add3A_35 = arith.constant 256 : i32
    %add3A_36 = arith.addi %mul3A_2, %add3A_35 : i32
    "tpu.region"() ({
      %run_scoped3A = tpu.sem_alloc : memref<!tpu.dma_semaphore, #tpu.memory_space<semaphore_mem>>
      %dma_start3A = arith.constant 0 : i32
      %dma_start3A_45 = tpu.memref_slice %arg8[%arg0, %add3A_36, %dma_start3A] : memref<2x10240x64xf32, #tpu.memory_space<hbm>> -> memref<1x128x64xf32, #tpu.memory_space<hbm>>
      %dma_start3A_46 = tpu.memref_squeeze %dma_start3A_45 : memref<1x128x64xf32, #tpu.memory_space<hbm>> -> memref<128x64xf32, #tpu.memory_space<hbm>>
      %dma_start3A_47 = arith.constant 0 : i32
      %dma_start3A_48 = tpu.memref_slice %arg12[%add3A_34, %dma_start3A_47] : memref<10240x64xf32, #tpu.memory_space<vmem_shared>> -> memref<128x64xf32, #tpu.memory_space<vmem_shared>>
      tpu.enqueue_dma source(%dma_start3A_48 : memref<128x64xf32, #tpu.memory_space<vmem_shared>>) target(%dma_start3A_46 : memref<128x64xf32, #tpu.memory_space<hbm>>) target_semaphore(%run_scoped3A : memref<!tpu.dma_semaphore, #tpu.memory_space<semaphore_mem>>)
      %dma_wait3A = arith.constant 0 : i32
      %dma_wait3A_49 = tpu.memref_slice %arg8[%arg0, %add3A_36, %dma_wait3A] : memref<2x10240x64xf32, #tpu.memory_space<hbm>> -> memref<1x128x64xf32, #tpu.memory_space<hbm>>
      %dma_wait3A_50 = tpu.memref_squeeze %dma_wait3A_49 : memref<1x128x64xf32, #tpu.memory_space<hbm>> -> memref<128x64xf32, #tpu.memory_space<hbm>>
      %dma_wait3A_51 = arith.constant 0 : i32
      %dma_wait3A_52 = tpu.memref_slice %arg12[%add3A_34, %dma_wait3A_51] : memref<10240x64xf32, #tpu.memory_space<vmem_shared>> -> memref<128x64xf32, #tpu.memory_space<vmem_shared>>
      tpu.wait_dma2 semaphore(%run_scoped3A : memref<!tpu.dma_semaphore, #tpu.memory_space<semaphore_mem>>) src(%dma_wait3A_52 : memref<128x64xf32, #tpu.memory_space<vmem_shared>>) dst(%dma_wait3A_50 : memref<128x64xf32, #tpu.memory_space<hbm>>)
      tpu.yield
    }) : () -> ()
    %add3A_37 = arith.constant 384 : i32
    %add3A_38 = arith.addi %mul3A_2, %add3A_37 : i32
    %add3A_39 = arith.constant 384 : i32
    %add3A_40 = arith.addi %mul3A_2, %add3A_39 : i32
    "tpu.region"() ({
      %run_scoped3A = tpu.sem_alloc : memref<!tpu.dma_semaphore, #tpu.memory_space<semaphore_mem>>
      %dma_start3A = arith.constant 0 : i32
      %dma_start3A_45 = tpu.memref_slice %arg8[%arg0, %add3A_40, %dma_start3A] : memref<2x10240x64xf32, #tpu.memory_space<hbm>> -> memref<1x128x64xf32, #tpu.memory_space<hbm>>
      %dma_start3A_46 = tpu.memref_squeeze %dma_start3A_45 : memref<1x128x64xf32, #tpu.memory_space<hbm>> -> memref<128x64xf32, #tpu.memory_space<hbm>>
      %dma_start3A_47 = arith.constant 0 : i32
      %dma_start3A_48 = tpu.memref_slice %arg12[%add3A_38, %dma_start3A_47] : memref<10240x64xf32, #tpu.memory_space<vmem_shared>> -> memref<128x64xf32, #tpu.memory_space<vmem_shared>>
      tpu.enqueue_dma source(%dma_start3A_48 : memref<128x64xf32, #tpu.memory_space<vmem_shared>>) target(%dma_start3A_46 : memref<128x64xf32, #tpu.memory_space<hbm>>) target_semaphore(%run_scoped3A : memref<!tpu.dma_semaphore, #tpu.memory_space<semaphore_mem>>)
      %dma_wait3A = arith.constant 0 : i32
      %dma_wait3A_49 = tpu.memref_slice %arg8[%arg0, %add3A_40, %dma_wait3A] : memref<2x10240x64xf32, #tpu.memory_space<hbm>> -> memref<1x128x64xf32, #tpu.memory_space<hbm>>
      %dma_wait3A_50 = tpu.memref_squeeze %dma_wait3A_49 : memref<1x128x64xf32, #tpu.memory_space<hbm>> -> memref<128x64xf32, #tpu.memory_space<hbm>>
      %dma_wait3A_51 = arith.constant 0 : i32
      %dma_wait3A_52 = tpu.memref_slice %arg12[%add3A_38, %dma_wait3A_51] : memref<10240x64xf32, #tpu.memory_space<vmem_shared>> -> memref<128x64xf32, #tpu.memory_space<vmem_shared>>
      tpu.wait_dma2 semaphore(%run_scoped3A : memref<!tpu.dma_semaphore, #tpu.memory_space<semaphore_mem>>) src(%dma_wait3A_52 : memref<128x64xf32, #tpu.memory_space<vmem_shared>>) dst(%dma_wait3A_50 : memref<128x64xf32, #tpu.memory_space<hbm>>)
      tpu.yield
    }) : () -> ()
    %add3A_41 = arith.constant 512 : i32
    %add3A_42 = arith.addi %mul3A_2, %add3A_41 : i32
    %add3A_43 = arith.constant 512 : i32
    %add3A_44 = arith.addi %mul3A_2, %add3A_43 : i32
    "tpu.region"() ({
      %run_scoped3A = tpu.sem_alloc : memref<!tpu.dma_semaphore, #tpu.memory_space<semaphore_mem>>
      %dma_start3A = arith.constant 0 : i32
      %dma_start3A_45 = tpu.memref_slice %arg8[%arg0, %add3A_44, %dma_start3A] : memref<2x10240x64xf32, #tpu.memory_space<hbm>> -> memref<1x128x64xf32, #tpu.memory_space<hbm>>
      %dma_start3A_46 = tpu.memref_squeeze %dma_start3A_45 : memref<1x128x64xf32, #tpu.memory_space<hbm>> -> memref<128x64xf32, #tpu.memory_space<hbm>>
      %dma_start3A_47 = arith.constant 0 : i32
      %dma_start3A_48 = tpu.memref_slice %arg12[%add3A_42, %dma_start3A_47] : memref<10240x64xf32, #tpu.memory_space<vmem_shared>> -> memref<128x64xf32, #tpu.memory_space<vmem_shared>>
      tpu.enqueue_dma source(%dma_start3A_48 : memref<128x64xf32, #tpu.memory_space<vmem_shared>>) target(%dma_start3A_46 : memref<128x64xf32, #tpu.memory_space<hbm>>) target_semaphore(%run_scoped3A : memref<!tpu.dma_semaphore, #tpu.memory_space<semaphore_mem>>)
      %dma_wait3A = arith.constant 0 : i32
      %dma_wait3A_49 = tpu.memref_slice %arg8[%arg0, %add3A_44, %dma_wait3A] : memref<2x10240x64xf32, #tpu.memory_space<hbm>> -> memref<1x128x64xf32, #tpu.memory_space<hbm>>
      %dma_wait3A_50 = tpu.memref_squeeze %dma_wait3A_49 : memref<1x128x64xf32, #tpu.memory_space<hbm>> -> memref<128x64xf32, #tpu.memory_space<hbm>>
      %dma_wait3A_51 = arith.constant 0 : i32
      %dma_wait3A_52 = tpu.memref_slice %arg12[%add3A_42, %dma_wait3A_51] : memref<10240x64xf32, #tpu.memory_space<vmem_shared>> -> memref<128x64xf32, #tpu.memory_space<vmem_shared>>
      tpu.wait_dma2 semaphore(%run_scoped3A : memref<!tpu.dma_semaphore, #tpu.memory_space<semaphore_mem>>) src(%dma_wait3A_52 : memref<128x64xf32, #tpu.memory_space<vmem_shared>>) dst(%dma_wait3A_50 : memref<128x64xf32, #tpu.memory_space<hbm>>)
      tpu.yield
    }) : () -> ()
    return
  }
}

#map = affine_map<(d0, d1) -> (0, 0)>
#map1 = affine_map<(d0, d1) -> (0, 0, 0)>
#map2 = affine_map<(d0, d1) -> (0)>
module attributes {stable_mosaic.version = 14 : i64} {
  func.func @_sc_agg2_body(%arg0: i32, %arg1: i32, %arg2: memref<10000x64xf32, #tpu.memory_space<hbm>>, %arg3: memref<10000x64xf32, #tpu.memory_space<hbm>>, %arg4: memref<32x97x128xi32, #tpu.memory_space<hbm>>, %arg5: memref<32x97x128xi32, #tpu.memory_space<hbm>>, %arg6: memref<128x64xf32, #tpu.memory_space<hbm>>, %arg7: memref<128xf32, #tpu.memory_space<hbm>>, %arg8: memref<640xf32, #tpu.memory_space<hbm>>, %arg9: memref<2x10240x64xf32, #tpu.memory_space<hbm>>, %arg10: memref<2x10240x64xf32, #tpu.memory_space<hbm>>, %arg11: memref<2x1x10240xf32, #tpu.memory_space<hbm>>, %arg12: memref<97x128xi32, #tpu.memory_space<vmem>>, %arg13: memref<97x128xi32, #tpu.memory_space<vmem>>, %arg14: memref<128x64xf32, #tpu.memory_space<vmem>>, %arg15: memref<128xf32, #tpu.memory_space<vmem>>, %arg16: memref<10240x64xf32, #tpu.memory_space<vmem_shared>>, %arg17: memref<10240xf32, #tpu.memory_space<vmem_shared>>, %arg18: memref<128x64xf32, #tpu.memory_space<vmem>>) attributes {dimension_semantics = [#tpu.dimension_semantics<core_parallel>, #tpu.dimension_semantics<subcore_parallel>], iteration_bounds = array<i64: 2, 16>, scalar_prefetch = 0 : i64, scratch_operands = 7 : i64, tpu.core_type = #tpu.core_type<sc_vector_subcore>, window_params = [{transform_indices = #map}, {transform_indices = #map}, {transform_indices = #map1}, {transform_indices = #map1}, {transform_indices = #map}, {transform_indices = #map2}, {transform_indices = #map2}, {transform_indices = #map1}, {transform_indices = #map1}, {transform_indices = #map1}]} {
    %mul3A = arith.constant 16 : i32
    %mul3A_0 = arith.muli %arg0, %mul3A : i32
    %add3A = arith.addi %mul3A_0, %arg1 : i32
    %eq3A = arith.constant 0 : i32
    %eq3A_1 = arith.cmpi eq, %arg0, %eq3A : i32
    %jit3A = arith.constant 97 : i32
    %jit3A_2 = arith.constant 61 : i32
    %select_n3A = arith.select %eq3A_1, %jit3A, %jit3A_2 : i32
    %mul3A_3 = arith.constant 640 : i32
    %mul3A_4 = arith.muli %arg1, %mul3A_3 : i32
    "tpu.region"() ({
      %run_scoped3A_87 = tpu.sem_alloc : memref<!tpu.dma_semaphore, #tpu.memory_space<semaphore_mem>>
      %dma_start3A = arith.constant 0 : i32
      %dma_start3A_88 = arith.constant 0 : i32
      %dma_start3A_89 = tpu.memref_slice %arg4[%add3A, %dma_start3A, %dma_start3A_88] : memref<32x97x128xi32, #tpu.memory_space<hbm>> -> memref<1x97x128xi32, #tpu.memory_space<hbm>>
      %dma_start3A_90 = tpu.memref_squeeze %dma_start3A_89 : memref<1x97x128xi32, #tpu.memory_space<hbm>> -> memref<97x128xi32, #tpu.memory_space<hbm>>
      %dma_start3A_91 = arith.constant 0 : i32
      %dma_start3A_92 = arith.constant 0 : i32
      %dma_start3A_93 = tpu.memref_slice %arg4[%add3A, %dma_start3A_91, %dma_start3A_92] : memref<32x97x128xi32, #tpu.memory_space<hbm>> -> memref<1x97x128xi32, #tpu.memory_space<hbm>>
      %dma_start3A_94 = tpu.memref_squeeze %dma_start3A_93 : memref<1x97x128xi32, #tpu.memory_space<hbm>> -> memref<97x128xi32, #tpu.memory_space<hbm>>
      tpu.enqueue_dma source(%dma_start3A_94 : memref<97x128xi32, #tpu.memory_space<hbm>>) target(%arg12 : memref<97x128xi32, #tpu.memory_space<vmem>>) target_semaphore(%run_scoped3A_87 : memref<!tpu.dma_semaphore, #tpu.memory_space<semaphore_mem>>)
      %dma_wait3A = arith.constant 0 : i32
      %dma_wait3A_95 = arith.constant 0 : i32
      %dma_wait3A_96 = tpu.memref_slice %arg4[%add3A, %dma_wait3A, %dma_wait3A_95] : memref<32x97x128xi32, #tpu.memory_space<hbm>> -> memref<1x97x128xi32, #tpu.memory_space<hbm>>
      %dma_wait3A_97 = tpu.memref_squeeze %dma_wait3A_96 : memref<1x97x128xi32, #tpu.memory_space<hbm>> -> memref<97x128xi32, #tpu.memory_space<hbm>>
      %dma_wait3A_98 = arith.constant 0 : i32
      %dma_wait3A_99 = arith.constant 0 : i32
      %dma_wait3A_100 = tpu.memref_slice %arg4[%add3A, %dma_wait3A_98, %dma_wait3A_99] : memref<32x97x128xi32, #tpu.memory_space<hbm>> -> memref<1x97x128xi32, #tpu.memory_space<hbm>>
      %dma_wait3A_101 = tpu.memref_squeeze %dma_wait3A_100 : memref<1x97x128xi32, #tpu.memory_space<hbm>> -> memref<97x128xi32, #tpu.memory_space<hbm>>
      tpu.wait_dma2 semaphore(%run_scoped3A_87 : memref<!tpu.dma_semaphore, #tpu.memory_space<semaphore_mem>>) src(%dma_wait3A_101 : memref<97x128xi32, #tpu.memory_space<hbm>>) dst(%arg12 : memref<97x128xi32, #tpu.memory_space<vmem>>)
      tpu.yield
    }) : () -> ()
    "tpu.region"() ({
      %run_scoped3A_87 = tpu.sem_alloc : memref<!tpu.dma_semaphore, #tpu.memory_space<semaphore_mem>>
      %dma_start3A = arith.constant 0 : i32
      %dma_start3A_88 = arith.constant 0 : i32
      %dma_start3A_89 = tpu.memref_slice %arg5[%add3A, %dma_start3A, %dma_start3A_88] : memref<32x97x128xi32, #tpu.memory_space<hbm>> -> memref<1x97x128xi32, #tpu.memory_space<hbm>>
      %dma_start3A_90 = tpu.memref_squeeze %dma_start3A_89 : memref<1x97x128xi32, #tpu.memory_space<hbm>> -> memref<97x128xi32, #tpu.memory_space<hbm>>
      %dma_start3A_91 = arith.constant 0 : i32
      %dma_start3A_92 = arith.constant 0 : i32
      %dma_start3A_93 = tpu.memref_slice %arg5[%add3A, %dma_start3A_91, %dma_start3A_92] : memref<32x97x128xi32, #tpu.memory_space<hbm>> -> memref<1x97x128xi32, #tpu.memory_space<hbm>>
      %dma_start3A_94 = tpu.memref_squeeze %dma_start3A_93 : memref<1x97x128xi32, #tpu.memory_space<hbm>> -> memref<97x128xi32, #tpu.memory_space<hbm>>
      tpu.enqueue_dma source(%dma_start3A_94 : memref<97x128xi32, #tpu.memory_space<hbm>>) target(%arg13 : memref<97x128xi32, #tpu.memory_space<vmem>>) target_semaphore(%run_scoped3A_87 : memref<!tpu.dma_semaphore, #tpu.memory_space<semaphore_mem>>)
      %dma_wait3A = arith.constant 0 : i32
      %dma_wait3A_95 = arith.constant 0 : i32
      %dma_wait3A_96 = tpu.memref_slice %arg5[%add3A, %dma_wait3A, %dma_wait3A_95] : memref<32x97x128xi32, #tpu.memory_space<hbm>> -> memref<1x97x128xi32, #tpu.memory_space<hbm>>
      %dma_wait3A_97 = tpu.memref_squeeze %dma_wait3A_96 : memref<1x97x128xi32, #tpu.memory_space<hbm>> -> memref<97x128xi32, #tpu.memory_space<hbm>>
      %dma_wait3A_98 = arith.constant 0 : i32
      %dma_wait3A_99 = arith.constant 0 : i32
      %dma_wait3A_100 = tpu.memref_slice %arg5[%add3A, %dma_wait3A_98, %dma_wait3A_99] : memref<32x97x128xi32, #tpu.memory_space<hbm>> -> memref<1x97x128xi32, #tpu.memory_space<hbm>>
      %dma_wait3A_101 = tpu.memref_squeeze %dma_wait3A_100 : memref<1x97x128xi32, #tpu.memory_space<hbm>> -> memref<97x128xi32, #tpu.memory_space<hbm>>
      tpu.wait_dma2 semaphore(%run_scoped3A_87 : memref<!tpu.dma_semaphore, #tpu.memory_space<semaphore_mem>>) src(%dma_wait3A_101 : memref<97x128xi32, #tpu.memory_space<hbm>>) dst(%arg13 : memref<97x128xi32, #tpu.memory_space<vmem>>)
      tpu.yield
    }) : () -> ()
    "tpu.region"() ({
      %run_scoped3A_87 = tpu.sem_alloc : memref<!tpu.dma_semaphore, #tpu.memory_space<semaphore_mem>>
      tpu.enqueue_dma source(%arg6 : memref<128x64xf32, #tpu.memory_space<hbm>>) target(%arg14 : memref<128x64xf32, #tpu.memory_space<vmem>>) target_semaphore(%run_scoped3A_87 : memref<!tpu.dma_semaphore, #tpu.memory_space<semaphore_mem>>)
      tpu.wait_dma2 semaphore(%run_scoped3A_87 : memref<!tpu.dma_semaphore, #tpu.memory_space<semaphore_mem>>) src(%arg6 : memref<128x64xf32, #tpu.memory_space<hbm>>) dst(%arg14 : memref<128x64xf32, #tpu.memory_space<vmem>>)
      tpu.yield
    }) : () -> ()
    "tpu.region"() ({
      %run_scoped3A_87 = tpu.sem_alloc : memref<!tpu.dma_semaphore, #tpu.memory_space<semaphore_mem>>
      tpu.enqueue_dma source(%arg7 : memref<128xf32, #tpu.memory_space<hbm>>) target(%arg15 : memref<128xf32, #tpu.memory_space<vmem>>) target_semaphore(%run_scoped3A_87 : memref<!tpu.dma_semaphore, #tpu.memory_space<semaphore_mem>>)
      tpu.wait_dma2 semaphore(%run_scoped3A_87 : memref<!tpu.dma_semaphore, #tpu.memory_space<semaphore_mem>>) src(%arg7 : memref<128xf32, #tpu.memory_space<hbm>>) dst(%arg15 : memref<128xf32, #tpu.memory_space<vmem>>)
      tpu.yield
    }) : () -> ()
    %add3A_5 = arith.constant 0 : i32
    %add3A_6 = arith.addi %mul3A_4, %add3A_5 : i32
    "tpu.region"() ({
      %run_scoped3A_87 = tpu.sem_alloc : memref<!tpu.dma_semaphore, #tpu.memory_space<semaphore_mem>>
      %dma_start3A = arith.constant 0 : i32
      %dma_start3A_88 = arith.constant 0 : i32
      %dma_start3A_89 = tpu.memref_slice %arg14[%dma_start3A, %dma_start3A_88] : memref<128x64xf32, #tpu.memory_space<vmem>> -> memref<128x64xf32, #tpu.memory_space<vmem>>
      %dma_start3A_90 = arith.constant 0 : i32
      %dma_start3A_91 = tpu.memref_slice %arg16[%add3A_6, %dma_start3A_90] : memref<10240x64xf32, #tpu.memory_space<vmem_shared>> -> memref<128x64xf32, #tpu.memory_space<vmem_shared>>
      %dma_start3A_92 = arith.constant 0 : i32
      %dma_start3A_93 = tpu.memref_slice %arg16[%add3A_6, %dma_start3A_92] : memref<10240x64xf32, #tpu.memory_space<vmem_shared>> -> memref<128x64xf32, #tpu.memory_space<vmem_shared>>
      %dma_start3A_94 = arith.constant 0 : i32
      %dma_start3A_95 = arith.constant 0 : i32
      %dma_start3A_96 = tpu.memref_slice %arg14[%dma_start3A_94, %dma_start3A_95] : memref<128x64xf32, #tpu.memory_space<vmem>> -> memref<128x64xf32, #tpu.memory_space<vmem>>
      tpu.enqueue_dma source(%dma_start3A_96 : memref<128x64xf32, #tpu.memory_space<vmem>>) target(%dma_start3A_93 : memref<128x64xf32, #tpu.memory_space<vmem_shared>>) target_semaphore(%run_scoped3A_87 : memref<!tpu.dma_semaphore, #tpu.memory_space<semaphore_mem>>)
      %dma_wait3A = arith.constant 0 : i32
      %dma_wait3A_97 = arith.constant 0 : i32
      %dma_wait3A_98 = tpu.memref_slice %arg14[%dma_wait3A, %dma_wait3A_97] : memref<128x64xf32, #tpu.memory_space<vmem>> -> memref<128x64xf32, #tpu.memory_space<vmem>>
      %dma_wait3A_99 = arith.constant 0 : i32
      %dma_wait3A_100 = tpu.memref_slice %arg16[%add3A_6, %dma_wait3A_99] : memref<10240x64xf32, #tpu.memory_space<vmem_shared>> -> memref<128x64xf32, #tpu.memory_space<vmem_shared>>
      %dma_wait3A_101 = arith.constant 0 : i32
      %dma_wait3A_102 = tpu.memref_slice %arg16[%add3A_6, %dma_wait3A_101] : memref<10240x64xf32, #tpu.memory_space<vmem_shared>> -> memref<128x64xf32, #tpu.memory_space<vmem_shared>>
      %dma_wait3A_103 = arith.constant 0 : i32
      %dma_wait3A_104 = arith.constant 0 : i32
      %dma_wait3A_105 = tpu.memref_slice %arg14[%dma_wait3A_103, %dma_wait3A_104] : memref<128x64xf32, #tpu.memory_space<vmem>> -> memref<128x64xf32, #tpu.memory_space<vmem>>
      tpu.wait_dma2 semaphore(%run_scoped3A_87 : memref<!tpu.dma_semaphore, #tpu.memory_space<semaphore_mem>>) src(%dma_wait3A_105 : memref<128x64xf32, #tpu.memory_space<vmem>>) dst(%dma_wait3A_102 : memref<128x64xf32, #tpu.memory_space<vmem_shared>>)
      tpu.yield
    }) : () -> ()
    %add3A_7 = arith.constant 128 : i32
    %add3A_8 = arith.addi %mul3A_4, %add3A_7 : i32
    "tpu.region"() ({
      %run_scoped3A_87 = tpu.sem_alloc : memref<!tpu.dma_semaphore, #tpu.memory_space<semaphore_mem>>
      %dma_start3A = arith.constant 0 : i32
      %dma_start3A_88 = arith.constant 0 : i32
      %dma_start3A_89 = tpu.memref_slice %arg14[%dma_start3A, %dma_start3A_88] : memref<128x64xf32, #tpu.memory_space<vmem>> -> memref<128x64xf32, #tpu.memory_space<vmem>>
      %dma_start3A_90 = arith.constant 0 : i32
      %dma_start3A_91 = tpu.memref_slice %arg16[%add3A_8, %dma_start3A_90] : memref<10240x64xf32, #tpu.memory_space<vmem_shared>> -> memref<128x64xf32, #tpu.memory_space<vmem_shared>>
      %dma_start3A_92 = arith.constant 0 : i32
      %dma_start3A_93 = tpu.memref_slice %arg16[%add3A_8, %dma_start3A_92] : memref<10240x64xf32, #tpu.memory_space<vmem_shared>> -> memref<128x64xf32, #tpu.memory_space<vmem_shared>>
      %dma_start3A_94 = arith.constant 0 : i32
      %dma_start3A_95 = arith.constant 0 : i32
      %dma_start3A_96 = tpu.memref_slice %arg14[%dma_start3A_94, %dma_start3A_95] : memref<128x64xf32, #tpu.memory_space<vmem>> -> memref<128x64xf32, #tpu.memory_space<vmem>>
      tpu.enqueue_dma source(%dma_start3A_96 : memref<128x64xf32, #tpu.memory_space<vmem>>) target(%dma_start3A_93 : memref<128x64xf32, #tpu.memory_space<vmem_shared>>) target_semaphore(%run_scoped3A_87 : memref<!tpu.dma_semaphore, #tpu.memory_space<semaphore_mem>>)
      %dma_wait3A = arith.constant 0 : i32
      %dma_wait3A_97 = arith.constant 0 : i32
      %dma_wait3A_98 = tpu.memref_slice %arg14[%dma_wait3A, %dma_wait3A_97] : memref<128x64xf32, #tpu.memory_space<vmem>> -> memref<128x64xf32, #tpu.memory_space<vmem>>
      %dma_wait3A_99 = arith.constant 0 : i32
      %dma_wait3A_100 = tpu.memref_slice %arg16[%add3A_8, %dma_wait3A_99] : memref<10240x64xf32, #tpu.memory_space<vmem_shared>> -> memref<128x64xf32, #tpu.memory_space<vmem_shared>>
      %dma_wait3A_101 = arith.constant 0 : i32
      %dma_wait3A_102 = tpu.memref_slice %arg16[%add3A_8, %dma_wait3A_101] : memref<10240x64xf32, #tpu.memory_space<vmem_shared>> -> memref<128x64xf32, #tpu.memory_space<vmem_shared>>
      %dma_wait3A_103 = arith.constant 0 : i32
      %dma_wait3A_104 = arith.constant 0 : i32
      %dma_wait3A_105 = tpu.memref_slice %arg14[%dma_wait3A_103, %dma_wait3A_104] : memref<128x64xf32, #tpu.memory_space<vmem>> -> memref<128x64xf32, #tpu.memory_space<vmem>>
      tpu.wait_dma2 semaphore(%run_scoped3A_87 : memref<!tpu.dma_semaphore, #tpu.memory_space<semaphore_mem>>) src(%dma_wait3A_105 : memref<128x64xf32, #tpu.memory_space<vmem>>) dst(%dma_wait3A_102 : memref<128x64xf32, #tpu.memory_space<vmem_shared>>)
      tpu.yield
    }) : () -> ()
    %add3A_9 = arith.constant 256 : i32
    %add3A_10 = arith.addi %mul3A_4, %add3A_9 : i32
    "tpu.region"() ({
      %run_scoped3A_87 = tpu.sem_alloc : memref<!tpu.dma_semaphore, #tpu.memory_space<semaphore_mem>>
      %dma_start3A = arith.constant 0 : i32
      %dma_start3A_88 = arith.constant 0 : i32
      %dma_start3A_89 = tpu.memref_slice %arg14[%dma_start3A, %dma_start3A_88] : memref<128x64xf32, #tpu.memory_space<vmem>> -> memref<128x64xf32, #tpu.memory_space<vmem>>
      %dma_start3A_90 = arith.constant 0 : i32
      %dma_start3A_91 = tpu.memref_slice %arg16[%add3A_10, %dma_start3A_90] : memref<10240x64xf32, #tpu.memory_space<vmem_shared>> -> memref<128x64xf32, #tpu.memory_space<vmem_shared>>
      %dma_start3A_92 = arith.constant 0 : i32
      %dma_start3A_93 = tpu.memref_slice %arg16[%add3A_10, %dma_start3A_92] : memref<10240x64xf32, #tpu.memory_space<vmem_shared>> -> memref<128x64xf32, #tpu.memory_space<vmem_shared>>
      %dma_start3A_94 = arith.constant 0 : i32
      %dma_start3A_95 = arith.constant 0 : i32
      %dma_start3A_96 = tpu.memref_slice %arg14[%dma_start3A_94, %dma_start3A_95] : memref<128x64xf32, #tpu.memory_space<vmem>> -> memref<128x64xf32, #tpu.memory_space<vmem>>
      tpu.enqueue_dma source(%dma_start3A_96 : memref<128x64xf32, #tpu.memory_space<vmem>>) target(%dma_start3A_93 : memref<128x64xf32, #tpu.memory_space<vmem_shared>>) target_semaphore(%run_scoped3A_87 : memref<!tpu.dma_semaphore, #tpu.memory_space<semaphore_mem>>)
      %dma_wait3A = arith.constant 0 : i32
      %dma_wait3A_97 = arith.constant 0 : i32
      %dma_wait3A_98 = tpu.memref_slice %arg14[%dma_wait3A, %dma_wait3A_97] : memref<128x64xf32, #tpu.memory_space<vmem>> -> memref<128x64xf32, #tpu.memory_space<vmem>>
      %dma_wait3A_99 = arith.constant 0 : i32
      %dma_wait3A_100 = tpu.memref_slice %arg16[%add3A_10, %dma_wait3A_99] : memref<10240x64xf32, #tpu.memory_space<vmem_shared>> -> memref<128x64xf32, #tpu.memory_space<vmem_shared>>
      %dma_wait3A_101 = arith.constant 0 : i32
      %dma_wait3A_102 = tpu.memref_slice %arg16[%add3A_10, %dma_wait3A_101] : memref<10240x64xf32, #tpu.memory_space<vmem_shared>> -> memref<128x64xf32, #tpu.memory_space<vmem_shared>>
      %dma_wait3A_103 = arith.constant 0 : i32
      %dma_wait3A_104 = arith.constant 0 : i32
      %dma_wait3A_105 = tpu.memref_slice %arg14[%dma_wait3A_103, %dma_wait3A_104] : memref<128x64xf32, #tpu.memory_space<vmem>> -> memref<128x64xf32, #tpu.memory_space<vmem>>
      tpu.wait_dma2 semaphore(%run_scoped3A_87 : memref<!tpu.dma_semaphore, #tpu.memory_space<semaphore_mem>>) src(%dma_wait3A_105 : memref<128x64xf32, #tpu.memory_space<vmem>>) dst(%dma_wait3A_102 : memref<128x64xf32, #tpu.memory_space<vmem_shared>>)
      tpu.yield
    }) : () -> ()
    %add3A_11 = arith.constant 384 : i32
    %add3A_12 = arith.addi %mul3A_4, %add3A_11 : i32
    "tpu.region"() ({
      %run_scoped3A_87 = tpu.sem_alloc : memref<!tpu.dma_semaphore, #tpu.memory_space<semaphore_mem>>
      %dma_start3A = arith.constant 0 : i32
      %dma_start3A_88 = arith.constant 0 : i32
      %dma_start3A_89 = tpu.memref_slice %arg14[%dma_start3A, %dma_start3A_88] : memref<128x64xf32, #tpu.memory_space<vmem>> -> memref<128x64xf32, #tpu.memory_space<vmem>>
      %dma_start3A_90 = arith.constant 0 : i32
      %dma_start3A_91 = tpu.memref_slice %arg16[%add3A_12, %dma_start3A_90] : memref<10240x64xf32, #tpu.memory_space<vmem_shared>> -> memref<128x64xf32, #tpu.memory_space<vmem_shared>>
      %dma_start3A_92 = arith.constant 0 : i32
      %dma_start3A_93 = tpu.memref_slice %arg16[%add3A_12, %dma_start3A_92] : memref<10240x64xf32, #tpu.memory_space<vmem_shared>> -> memref<128x64xf32, #tpu.memory_space<vmem_shared>>
      %dma_start3A_94 = arith.constant 0 : i32
      %dma_start3A_95 = arith.constant 0 : i32
      %dma_start3A_96 = tpu.memref_slice %arg14[%dma_start3A_94, %dma_start3A_95] : memref<128x64xf32, #tpu.memory_space<vmem>> -> memref<128x64xf32, #tpu.memory_space<vmem>>
      tpu.enqueue_dma source(%dma_start3A_96 : memref<128x64xf32, #tpu.memory_space<vmem>>) target(%dma_start3A_93 : memref<128x64xf32, #tpu.memory_space<vmem_shared>>) target_semaphore(%run_scoped3A_87 : memref<!tpu.dma_semaphore, #tpu.memory_space<semaphore_mem>>)
      %dma_wait3A = arith.constant 0 : i32
      %dma_wait3A_97 = arith.constant 0 : i32
      %dma_wait3A_98 = tpu.memref_slice %arg14[%dma_wait3A, %dma_wait3A_97] : memref<128x64xf32, #tpu.memory_space<vmem>> -> memref<128x64xf32, #tpu.memory_space<vmem>>
      %dma_wait3A_99 = arith.constant 0 : i32
      %dma_wait3A_100 = tpu.memref_slice %arg16[%add3A_12, %dma_wait3A_99] : memref<10240x64xf32, #tpu.memory_space<vmem_shared>> -> memref<128x64xf32, #tpu.memory_space<vmem_shared>>
      %dma_wait3A_101 = arith.constant 0 : i32
      %dma_wait3A_102 = tpu.memref_slice %arg16[%add3A_12, %dma_wait3A_101] : memref<10240x64xf32, #tpu.memory_space<vmem_shared>> -> memref<128x64xf32, #tpu.memory_space<vmem_shared>>
      %dma_wait3A_103 = arith.constant 0 : i32
      %dma_wait3A_104 = arith.constant 0 : i32
      %dma_wait3A_105 = tpu.memref_slice %arg14[%dma_wait3A_103, %dma_wait3A_104] : memref<128x64xf32, #tpu.memory_space<vmem>> -> memref<128x64xf32, #tpu.memory_space<vmem>>
      tpu.wait_dma2 semaphore(%run_scoped3A_87 : memref<!tpu.dma_semaphore, #tpu.memory_space<semaphore_mem>>) src(%dma_wait3A_105 : memref<128x64xf32, #tpu.memory_space<vmem>>) dst(%dma_wait3A_102 : memref<128x64xf32, #tpu.memory_space<vmem_shared>>)
      tpu.yield
    }) : () -> ()
    %add3A_13 = arith.constant 512 : i32
    %add3A_14 = arith.addi %mul3A_4, %add3A_13 : i32
    "tpu.region"() ({
      %run_scoped3A_87 = tpu.sem_alloc : memref<!tpu.dma_semaphore, #tpu.memory_space<semaphore_mem>>
      %dma_start3A = arith.constant 0 : i32
      %dma_start3A_88 = arith.constant 0 : i32
      %dma_start3A_89 = tpu.memref_slice %arg14[%dma_start3A, %dma_start3A_88] : memref<128x64xf32, #tpu.memory_space<vmem>> -> memref<128x64xf32, #tpu.memory_space<vmem>>
      %dma_start3A_90 = arith.constant 0 : i32
      %dma_start3A_91 = tpu.memref_slice %arg16[%add3A_14, %dma_start3A_90] : memref<10240x64xf32, #tpu.memory_space<vmem_shared>> -> memref<128x64xf32, #tpu.memory_space<vmem_shared>>
      %dma_start3A_92 = arith.constant 0 : i32
      %dma_start3A_93 = tpu.memref_slice %arg16[%add3A_14, %dma_start3A_92] : memref<10240x64xf32, #tpu.memory_space<vmem_shared>> -> memref<128x64xf32, #tpu.memory_space<vmem_shared>>
      %dma_start3A_94 = arith.constant 0 : i32
      %dma_start3A_95 = arith.constant 0 : i32
      %dma_start3A_96 = tpu.memref_slice %arg14[%dma_start3A_94, %dma_start3A_95] : memref<128x64xf32, #tpu.memory_space<vmem>> -> memref<128x64xf32, #tpu.memory_space<vmem>>
      tpu.enqueue_dma source(%dma_start3A_96 : memref<128x64xf32, #tpu.memory_space<vmem>>) target(%dma_start3A_93 : memref<128x64xf32, #tpu.memory_space<vmem_shared>>) target_semaphore(%run_scoped3A_87 : memref<!tpu.dma_semaphore, #tpu.memory_space<semaphore_mem>>)
      %dma_wait3A = arith.constant 0 : i32
      %dma_wait3A_97 = arith.constant 0 : i32
      %dma_wait3A_98 = tpu.memref_slice %arg14[%dma_wait3A, %dma_wait3A_97] : memref<128x64xf32, #tpu.memory_space<vmem>> -> memref<128x64xf32, #tpu.memory_space<vmem>>
      %dma_wait3A_99 = arith.constant 0 : i32
      %dma_wait3A_100 = tpu.memref_slice %arg16[%add3A_14, %dma_wait3A_99] : memref<10240x64xf32, #tpu.memory_space<vmem_shared>> -> memref<128x64xf32, #tpu.memory_space<vmem_shared>>
      %dma_wait3A_101 = arith.constant 0 : i32
      %dma_wait3A_102 = tpu.memref_slice %arg16[%add3A_14, %dma_wait3A_101] : memref<10240x64xf32, #tpu.memory_space<vmem_shared>> -> memref<128x64xf32, #tpu.memory_space<vmem_shared>>
      %dma_wait3A_103 = arith.constant 0 : i32
      %dma_wait3A_104 = arith.constant 0 : i32
      %dma_wait3A_105 = tpu.memref_slice %arg14[%dma_wait3A_103, %dma_wait3A_104] : memref<128x64xf32, #tpu.memory_space<vmem>> -> memref<128x64xf32, #tpu.memory_space<vmem>>
      tpu.wait_dma2 semaphore(%run_scoped3A_87 : memref<!tpu.dma_semaphore, #tpu.memory_space<semaphore_mem>>) src(%dma_wait3A_105 : memref<128x64xf32, #tpu.memory_space<vmem>>) dst(%dma_wait3A_102 : memref<128x64xf32, #tpu.memory_space<vmem_shared>>)
      tpu.yield
    }) : () -> ()
    "tpu.region"() ({
      %run_scoped3A_87 = tpu.sem_alloc : memref<!tpu.dma_semaphore, #tpu.memory_space<semaphore_mem>>
      %dma_start3A = tpu.memref_slice %arg17[%mul3A_4] : memref<10240xf32, #tpu.memory_space<vmem_shared>> -> memref<640xf32, #tpu.memory_space<vmem_shared>>
      tpu.enqueue_dma source(%arg8 : memref<640xf32, #tpu.memory_space<hbm>>) target(%dma_start3A : memref<640xf32, #tpu.memory_space<vmem_shared>>) target_semaphore(%run_scoped3A_87 : memref<!tpu.dma_semaphore, #tpu.memory_space<semaphore_mem>>)
      %dma_wait3A = tpu.memref_slice %arg17[%mul3A_4] : memref<10240xf32, #tpu.memory_space<vmem_shared>> -> memref<640xf32, #tpu.memory_space<vmem_shared>>
      tpu.wait_dma2 semaphore(%run_scoped3A_87 : memref<!tpu.dma_semaphore, #tpu.memory_space<semaphore_mem>>) src(%arg8 : memref<640xf32, #tpu.memory_space<hbm>>) dst(%dma_wait3A : memref<640xf32, #tpu.memory_space<vmem_shared>>)
      tpu.yield
    }) : () -> ()
    %barrier3A = arith.constant 0 : index
    tpu.barrier barrier_id(%barrier3A)
    %while3A = arith.constant 0 : i32
    %while3A_15 = arith.constant 0 : i32
    %while3A_16 = arith.subi %select_n3A, %while3A_15 : i32
    %while3A_17 = arith.addi %while3A_15, %while3A_16 : i32
    %while3A_18 = arith.constant 1 : i32
    %while3A_19 = arith.divsi %while3A_16, %while3A_18 : i32
    %while3A_20 = arith.muli %while3A_19, %while3A_18 : i32
    %while3A_21 = arith.addi %while3A_15, %while3A_20 : i32
    %while3A_22 = arith.constant 1 : i32
    scf.for %while3A_87 = %while3A_15 to %while3A_21 step %while3A_22  : i32 {
      "tpu.region"() ({
        %run_scoped3A_88 = tpu.sem_alloc : memref<!tpu.dma_semaphore, #tpu.memory_space<semaphore_mem>>
        %dma_start3A = arith.constant 0 : i32
        %dma_start3A_89 = tpu.memref_slice %arg12[%while3A_87, %dma_start3A] : memref<97x128xi32, #tpu.memory_space<vmem>> -> memref<1x128xi32, #tpu.memory_space<vmem>>
        %dma_start3A_90 = tpu.memref_squeeze %dma_start3A_89 : memref<1x128xi32, #tpu.memory_space<vmem>> -> memref<128xi32, #tpu.memory_space<vmem>>
        %dma_start3A_91 = arith.constant 0 : i32
        %dma_start3A_92 = arith.constant 0 : i32
        %dma_start3A_93 = tpu.memref_slice %arg2[%dma_start3A_91, %dma_start3A_92] : memref<10000x64xf32, #tpu.memory_space<hbm>> -> memref<10000x64xf32, #tpu.memory_space<hbm>>
        tpu.enqueue_indirect_dma source(%dma_start3A_93 : memref<10000x64xf32, #tpu.memory_space<hbm>>) target(%arg18 : memref<128x64xf32, #tpu.memory_space<vmem>>) offsets(%dma_start3A_90 : memref<128xi32, #tpu.memory_space<vmem>>) semaphore(%run_scoped3A_88 : memref<!tpu.dma_semaphore, #tpu.memory_space<semaphore_mem>>)
        %dma_wait3A = arith.constant 0 : i32
        %dma_wait3A_94 = tpu.memref_slice %arg12[%while3A_87, %dma_wait3A] : memref<97x128xi32, #tpu.memory_space<vmem>> -> memref<1x128xi32, #tpu.memory_space<vmem>>
        %dma_wait3A_95 = tpu.memref_squeeze %dma_wait3A_94 : memref<1x128xi32, #tpu.memory_space<vmem>> -> memref<128xi32, #tpu.memory_space<vmem>>
        %dma_wait3A_96 = arith.constant 0 : i32
        %dma_wait3A_97 = arith.constant 0 : i32
        %dma_wait3A_98 = tpu.memref_slice %arg2[%dma_wait3A_96, %dma_wait3A_97] : memref<10000x64xf32, #tpu.memory_space<hbm>> -> memref<10000x64xf32, #tpu.memory_space<hbm>>
        tpu.wait_indirect_dma semaphore(%run_scoped3A_88 : memref<!tpu.dma_semaphore, #tpu.memory_space<semaphore_mem>>) src(%dma_wait3A_98 : memref<10000x64xf32, #tpu.memory_space<hbm>>) dst(%arg18 : memref<128x64xf32, #tpu.memory_space<vmem>>)
        tpu.yield
      }) : () -> ()
      "tpu.region"() ({
        %run_scoped3A_88 = tpu.sem_alloc : memref<!tpu.dma_semaphore, #tpu.memory_space<semaphore_mem>>
        %dma_start3A = arith.constant 0 : i32
        %dma_start3A_89 = tpu.memref_slice %arg13[%while3A_87, %dma_start3A] : memref<97x128xi32, #tpu.memory_space<vmem>> -> memref<1x128xi32, #tpu.memory_space<vmem>>
        %dma_start3A_90 = tpu.memref_squeeze %dma_start3A_89 : memref<1x128xi32, #tpu.memory_space<vmem>> -> memref<128xi32, #tpu.memory_space<vmem>>
        %dma_start3A_91 = arith.constant 0 : i32
        %dma_start3A_92 = arith.constant 0 : i32
        %dma_start3A_93 = tpu.memref_slice %arg16[%dma_start3A_91, %dma_start3A_92] : memref<10240x64xf32, #tpu.memory_space<vmem_shared>> -> memref<10240x64xf32, #tpu.memory_space<vmem_shared>>
        tpu.enqueue_indirect_dma source(%arg18 : memref<128x64xf32, #tpu.memory_space<vmem>>) target(%dma_start3A_93 : memref<10240x64xf32, #tpu.memory_space<vmem_shared>>) offsets(%dma_start3A_90 : memref<128xi32, #tpu.memory_space<vmem>>) semaphore(%run_scoped3A_88 : memref<!tpu.dma_semaphore, #tpu.memory_space<semaphore_mem>>) {add = true}
        %dma_wait3A = arith.constant 0 : i32
        %dma_wait3A_94 = tpu.memref_slice %arg13[%while3A_87, %dma_wait3A] : memref<97x128xi32, #tpu.memory_space<vmem>> -> memref<1x128xi32, #tpu.memory_space<vmem>>
        %dma_wait3A_95 = tpu.memref_squeeze %dma_wait3A_94 : memref<1x128xi32, #tpu.memory_space<vmem>> -> memref<128xi32, #tpu.memory_space<vmem>>
        %dma_wait3A_96 = arith.constant 0 : i32
        %dma_wait3A_97 = arith.constant 0 : i32
        %dma_wait3A_98 = tpu.memref_slice %arg16[%dma_wait3A_96, %dma_wait3A_97] : memref<10240x64xf32, #tpu.memory_space<vmem_shared>> -> memref<10240x64xf32, #tpu.memory_space<vmem_shared>>
        tpu.wait_indirect_dma semaphore(%run_scoped3A_88 : memref<!tpu.dma_semaphore, #tpu.memory_space<semaphore_mem>>) src(%arg18 : memref<128x64xf32, #tpu.memory_space<vmem>>) dst(%dma_wait3A_98 : memref<10240x64xf32, #tpu.memory_space<vmem_shared>>)
        tpu.yield
      }) : () -> ()
      "tpu.region"() ({
        %run_scoped3A_88 = tpu.sem_alloc : memref<!tpu.dma_semaphore, #tpu.memory_space<semaphore_mem>>
        %dma_start3A = arith.constant 0 : i32
        %dma_start3A_89 = tpu.memref_slice %arg13[%while3A_87, %dma_start3A] : memref<97x128xi32, #tpu.memory_space<vmem>> -> memref<1x128xi32, #tpu.memory_space<vmem>>
        %dma_start3A_90 = tpu.memref_squeeze %dma_start3A_89 : memref<1x128xi32, #tpu.memory_space<vmem>> -> memref<128xi32, #tpu.memory_space<vmem>>
        %dma_start3A_91 = arith.constant 0 : i32
        %dma_start3A_92 = tpu.memref_slice %arg17[%dma_start3A_91] : memref<10240xf32, #tpu.memory_space<vmem_shared>> -> memref<10240xf32, #tpu.memory_space<vmem_shared>>
        tpu.enqueue_indirect_dma source(%arg15 : memref<128xf32, #tpu.memory_space<vmem>>) target(%dma_start3A_92 : memref<10240xf32, #tpu.memory_space<vmem_shared>>) offsets(%dma_start3A_90 : memref<128xi32, #tpu.memory_space<vmem>>) semaphore(%run_scoped3A_88 : memref<!tpu.dma_semaphore, #tpu.memory_space<semaphore_mem>>) {add = true}
        %dma_wait3A = arith.constant 0 : i32
        %dma_wait3A_93 = tpu.memref_slice %arg13[%while3A_87, %dma_wait3A] : memref<97x128xi32, #tpu.memory_space<vmem>> -> memref<1x128xi32, #tpu.memory_space<vmem>>
        %dma_wait3A_94 = tpu.memref_squeeze %dma_wait3A_93 : memref<1x128xi32, #tpu.memory_space<vmem>> -> memref<128xi32, #tpu.memory_space<vmem>>
        %dma_wait3A_95 = arith.constant 0 : i32
        %dma_wait3A_96 = tpu.memref_slice %arg17[%dma_wait3A_95] : memref<10240xf32, #tpu.memory_space<vmem_shared>> -> memref<10240xf32, #tpu.memory_space<vmem_shared>>
        tpu.wait_indirect_dma semaphore(%run_scoped3A_88 : memref<!tpu.dma_semaphore, #tpu.memory_space<semaphore_mem>>) src(%arg15 : memref<128xf32, #tpu.memory_space<vmem>>) dst(%dma_wait3A_96 : memref<10240xf32, #tpu.memory_space<vmem_shared>>)
        tpu.yield
      }) : () -> ()
    }
    %while3A_23 = arith.constant 1 : i32
    scf.for %while3A_87 = %while3A_21 to %while3A_17 step %while3A_23  : i32 {
      "tpu.region"() ({
        %run_scoped3A_88 = tpu.sem_alloc : memref<!tpu.dma_semaphore, #tpu.memory_space<semaphore_mem>>
        %dma_start3A = arith.constant 0 : i32
        %dma_start3A_89 = tpu.memref_slice %arg12[%while3A_87, %dma_start3A] : memref<97x128xi32, #tpu.memory_space<vmem>> -> memref<1x128xi32, #tpu.memory_space<vmem>>
        %dma_start3A_90 = tpu.memref_squeeze %dma_start3A_89 : memref<1x128xi32, #tpu.memory_space<vmem>> -> memref<128xi32, #tpu.memory_space<vmem>>
        %dma_start3A_91 = arith.constant 0 : i32
        %dma_start3A_92 = arith.constant 0 : i32
        %dma_start3A_93 = tpu.memref_slice %arg2[%dma_start3A_91, %dma_start3A_92] : memref<10000x64xf32, #tpu.memory_space<hbm>> -> memref<10000x64xf32, #tpu.memory_space<hbm>>
        tpu.enqueue_indirect_dma source(%dma_start3A_93 : memref<10000x64xf32, #tpu.memory_space<hbm>>) target(%arg18 : memref<128x64xf32, #tpu.memory_space<vmem>>) offsets(%dma_start3A_90 : memref<128xi32, #tpu.memory_space<vmem>>) semaphore(%run_scoped3A_88 : memref<!tpu.dma_semaphore, #tpu.memory_space<semaphore_mem>>)
        %dma_wait3A = arith.constant 0 : i32
        %dma_wait3A_94 = tpu.memref_slice %arg12[%while3A_87, %dma_wait3A] : memref<97x128xi32, #tpu.memory_space<vmem>> -> memref<1x128xi32, #tpu.memory_space<vmem>>
        %dma_wait3A_95 = tpu.memref_squeeze %dma_wait3A_94 : memref<1x128xi32, #tpu.memory_space<vmem>> -> memref<128xi32, #tpu.memory_space<vmem>>
        %dma_wait3A_96 = arith.constant 0 : i32
        %dma_wait3A_97 = arith.constant 0 : i32
        %dma_wait3A_98 = tpu.memref_slice %arg2[%dma_wait3A_96, %dma_wait3A_97] : memref<10000x64xf32, #tpu.memory_space<hbm>> -> memref<10000x64xf32, #tpu.memory_space<hbm>>
        tpu.wait_indirect_dma semaphore(%run_scoped3A_88 : memref<!tpu.dma_semaphore, #tpu.memory_space<semaphore_mem>>) src(%dma_wait3A_98 : memref<10000x64xf32, #tpu.memory_space<hbm>>) dst(%arg18 : memref<128x64xf32, #tpu.memory_space<vmem>>)
        tpu.yield
      }) : () -> ()
      "tpu.region"() ({
        %run_scoped3A_88 = tpu.sem_alloc : memref<!tpu.dma_semaphore, #tpu.memory_space<semaphore_mem>>
        %dma_start3A = arith.constant 0 : i32
        %dma_start3A_89 = tpu.memref_slice %arg13[%while3A_87, %dma_start3A] : memref<97x128xi32, #tpu.memory_space<vmem>> -> memref<1x128xi32, #tpu.memory_space<vmem>>
        %dma_start3A_90 = tpu.memref_squeeze %dma_start3A_89 : memref<1x128xi32, #tpu.memory_space<vmem>> -> memref<128xi32, #tpu.memory_space<vmem>>
        %dma_start3A_91 = arith.constant 0 : i32
        %dma_start3A_92 = arith.constant 0 : i32
        %dma_start3A_93 = tpu.memref_slice %arg16[%dma_start3A_91, %dma_start3A_92] : memref<10240x64xf32, #tpu.memory_space<vmem_shared>> -> memref<10240x64xf32, #tpu.memory_space<vmem_shared>>
        tpu.enqueue_indirect_dma source(%arg18 : memref<128x64xf32, #tpu.memory_space<vmem>>) target(%dma_start3A_93 : memref<10240x64xf32, #tpu.memory_space<vmem_shared>>) offsets(%dma_start3A_90 : memref<128xi32, #tpu.memory_space<vmem>>) semaphore(%run_scoped3A_88 : memref<!tpu.dma_semaphore, #tpu.memory_space<semaphore_mem>>) {add = true}
        %dma_wait3A = arith.constant 0 : i32
        %dma_wait3A_94 = tpu.memref_slice %arg13[%while3A_87, %dma_wait3A] : memref<97x128xi32, #tpu.memory_space<vmem>> -> memref<1x128xi32, #tpu.memory_space<vmem>>
        %dma_wait3A_95 = tpu.memref_squeeze %dma_wait3A_94 : memref<1x128xi32, #tpu.memory_space<vmem>> -> memref<128xi32, #tpu.memory_space<vmem>>
        %dma_wait3A_96 = arith.constant 0 : i32
        %dma_wait3A_97 = arith.constant 0 : i32
        %dma_wait3A_98 = tpu.memref_slice %arg16[%dma_wait3A_96, %dma_wait3A_97] : memref<10240x64xf32, #tpu.memory_space<vmem_shared>> -> memref<10240x64xf32, #tpu.memory_space<vmem_shared>>
        tpu.wait_indirect_dma semaphore(%run_scoped3A_88 : memref<!tpu.dma_semaphore, #tpu.memory_space<semaphore_mem>>) src(%arg18 : memref<128x64xf32, #tpu.memory_space<vmem>>) dst(%dma_wait3A_98 : memref<10240x64xf32, #tpu.memory_space<vmem_shared>>)
        tpu.yield
      }) : () -> ()
      "tpu.region"() ({
        %run_scoped3A_88 = tpu.sem_alloc : memref<!tpu.dma_semaphore, #tpu.memory_space<semaphore_mem>>
        %dma_start3A = arith.constant 0 : i32
        %dma_start3A_89 = tpu.memref_slice %arg13[%while3A_87, %dma_start3A] : memref<97x128xi32, #tpu.memory_space<vmem>> -> memref<1x128xi32, #tpu.memory_space<vmem>>
        %dma_start3A_90 = tpu.memref_squeeze %dma_start3A_89 : memref<1x128xi32, #tpu.memory_space<vmem>> -> memref<128xi32, #tpu.memory_space<vmem>>
        %dma_start3A_91 = arith.constant 0 : i32
        %dma_start3A_92 = tpu.memref_slice %arg17[%dma_start3A_91] : memref<10240xf32, #tpu.memory_space<vmem_shared>> -> memref<10240xf32, #tpu.memory_space<vmem_shared>>
        tpu.enqueue_indirect_dma source(%arg15 : memref<128xf32, #tpu.memory_space<vmem>>) target(%dma_start3A_92 : memref<10240xf32, #tpu.memory_space<vmem_shared>>) offsets(%dma_start3A_90 : memref<128xi32, #tpu.memory_space<vmem>>) semaphore(%run_scoped3A_88 : memref<!tpu.dma_semaphore, #tpu.memory_space<semaphore_mem>>) {add = true}
        %dma_wait3A = arith.constant 0 : i32
        %dma_wait3A_93 = tpu.memref_slice %arg13[%while3A_87, %dma_wait3A] : memref<97x128xi32, #tpu.memory_space<vmem>> -> memref<1x128xi32, #tpu.memory_space<vmem>>
        %dma_wait3A_94 = tpu.memref_squeeze %dma_wait3A_93 : memref<1x128xi32, #tpu.memory_space<vmem>> -> memref<128xi32, #tpu.memory_space<vmem>>
        %dma_wait3A_95 = arith.constant 0 : i32
        %dma_wait3A_96 = tpu.memref_slice %arg17[%dma_wait3A_95] : memref<10240xf32, #tpu.memory_space<vmem_shared>> -> memref<10240xf32, #tpu.memory_space<vmem_shared>>
        tpu.wait_indirect_dma semaphore(%run_scoped3A_88 : memref<!tpu.dma_semaphore, #tpu.memory_space<semaphore_mem>>) src(%arg15 : memref<128xf32, #tpu.memory_space<vmem>>) dst(%dma_wait3A_96 : memref<10240xf32, #tpu.memory_space<vmem_shared>>)
        tpu.yield
      }) : () -> ()
    }
    %barrier3A_24 = arith.constant 0 : index
    tpu.barrier barrier_id(%barrier3A_24)
    %add3A_25 = arith.constant 0 : i32
    %add3A_26 = arith.addi %mul3A_4, %add3A_25 : i32
    %add3A_27 = arith.constant 0 : i32
    %add3A_28 = arith.addi %mul3A_4, %add3A_27 : i32
    "tpu.region"() ({
      %run_scoped3A_87 = tpu.sem_alloc : memref<!tpu.dma_semaphore, #tpu.memory_space<semaphore_mem>>
      %dma_start3A = arith.constant 0 : i32
      %dma_start3A_88 = tpu.memref_slice %arg9[%arg0, %add3A_28, %dma_start3A] : memref<2x10240x64xf32, #tpu.memory_space<hbm>> -> memref<1x128x64xf32, #tpu.memory_space<hbm>>
      %dma_start3A_89 = tpu.memref_squeeze %dma_start3A_88 : memref<1x128x64xf32, #tpu.memory_space<hbm>> -> memref<128x64xf32, #tpu.memory_space<hbm>>
      %dma_start3A_90 = arith.constant 0 : i32
      %dma_start3A_91 = tpu.memref_slice %arg16[%add3A_26, %dma_start3A_90] : memref<10240x64xf32, #tpu.memory_space<vmem_shared>> -> memref<128x64xf32, #tpu.memory_space<vmem_shared>>
      tpu.enqueue_dma source(%dma_start3A_91 : memref<128x64xf32, #tpu.memory_space<vmem_shared>>) target(%dma_start3A_89 : memref<128x64xf32, #tpu.memory_space<hbm>>) target_semaphore(%run_scoped3A_87 : memref<!tpu.dma_semaphore, #tpu.memory_space<semaphore_mem>>)
      %dma_wait3A = arith.constant 0 : i32
      %dma_wait3A_92 = tpu.memref_slice %arg9[%arg0, %add3A_28, %dma_wait3A] : memref<2x10240x64xf32, #tpu.memory_space<hbm>> -> memref<1x128x64xf32, #tpu.memory_space<hbm>>
      %dma_wait3A_93 = tpu.memref_squeeze %dma_wait3A_92 : memref<1x128x64xf32, #tpu.memory_space<hbm>> -> memref<128x64xf32, #tpu.memory_space<hbm>>
      %dma_wait3A_94 = arith.constant 0 : i32
      %dma_wait3A_95 = tpu.memref_slice %arg16[%add3A_26, %dma_wait3A_94] : memref<10240x64xf32, #tpu.memory_space<vmem_shared>> -> memref<128x64xf32, #tpu.memory_space<vmem_shared>>
      tpu.wait_dma2 semaphore(%run_scoped3A_87 : memref<!tpu.dma_semaphore, #tpu.memory_space<semaphore_mem>>) src(%dma_wait3A_95 : memref<128x64xf32, #tpu.memory_space<vmem_shared>>) dst(%dma_wait3A_93 : memref<128x64xf32, #tpu.memory_space<hbm>>)
      tpu.yield
    }) : () -> ()
    %add3A_29 = arith.constant 128 : i32
    %add3A_30 = arith.addi %mul3A_4, %add3A_29 : i32
    %add3A_31 = arith.constant 128 : i32
    %add3A_32 = arith.addi %mul3A_4, %add3A_31 : i32
    "tpu.region"() ({
      %run_scoped3A_87 = tpu.sem_alloc : memref<!tpu.dma_semaphore, #tpu.memory_space<semaphore_mem>>
      %dma_start3A = arith.constant 0 : i32
      %dma_start3A_88 = tpu.memref_slice %arg9[%arg0, %add3A_32, %dma_start3A] : memref<2x10240x64xf32, #tpu.memory_space<hbm>> -> memref<1x128x64xf32, #tpu.memory_space<hbm>>
      %dma_start3A_89 = tpu.memref_squeeze %dma_start3A_88 : memref<1x128x64xf32, #tpu.memory_space<hbm>> -> memref<128x64xf32, #tpu.memory_space<hbm>>
      %dma_start3A_90 = arith.constant 0 : i32
      %dma_start3A_91 = tpu.memref_slice %arg16[%add3A_30, %dma_start3A_90] : memref<10240x64xf32, #tpu.memory_space<vmem_shared>> -> memref<128x64xf32, #tpu.memory_space<vmem_shared>>
      tpu.enqueue_dma source(%dma_start3A_91 : memref<128x64xf32, #tpu.memory_space<vmem_shared>>) target(%dma_start3A_89 : memref<128x64xf32, #tpu.memory_space<hbm>>) target_semaphore(%run_scoped3A_87 : memref<!tpu.dma_semaphore, #tpu.memory_space<semaphore_mem>>)
      %dma_wait3A = arith.constant 0 : i32
      %dma_wait3A_92 = tpu.memref_slice %arg9[%arg0, %add3A_32, %dma_wait3A] : memref<2x10240x64xf32, #tpu.memory_space<hbm>> -> memref<1x128x64xf32, #tpu.memory_space<hbm>>
      %dma_wait3A_93 = tpu.memref_squeeze %dma_wait3A_92 : memref<1x128x64xf32, #tpu.memory_space<hbm>> -> memref<128x64xf32, #tpu.memory_space<hbm>>
      %dma_wait3A_94 = arith.constant 0 : i32
      %dma_wait3A_95 = tpu.memref_slice %arg16[%add3A_30, %dma_wait3A_94] : memref<10240x64xf32, #tpu.memory_space<vmem_shared>> -> memref<128x64xf32, #tpu.memory_space<vmem_shared>>
      tpu.wait_dma2 semaphore(%run_scoped3A_87 : memref<!tpu.dma_semaphore, #tpu.memory_space<semaphore_mem>>) src(%dma_wait3A_95 : memref<128x64xf32, #tpu.memory_space<vmem_shared>>) dst(%dma_wait3A_93 : memref<128x64xf32, #tpu.memory_space<hbm>>)
      tpu.yield
    }) : () -> ()
    %add3A_33 = arith.constant 256 : i32
    %add3A_34 = arith.addi %mul3A_4, %add3A_33 : i32
    %add3A_35 = arith.constant 256 : i32
    %add3A_36 = arith.addi %mul3A_4, %add3A_35 : i32
    "tpu.region"() ({
      %run_scoped3A_87 = tpu.sem_alloc : memref<!tpu.dma_semaphore, #tpu.memory_space<semaphore_mem>>
      %dma_start3A = arith.constant 0 : i32
      %dma_start3A_88 = tpu.memref_slice %arg9[%arg0, %add3A_36, %dma_start3A] : memref<2x10240x64xf32, #tpu.memory_space<hbm>> -> memref<1x128x64xf32, #tpu.memory_space<hbm>>
      %dma_start3A_89 = tpu.memref_squeeze %dma_start3A_88 : memref<1x128x64xf32, #tpu.memory_space<hbm>> -> memref<128x64xf32, #tpu.memory_space<hbm>>
      %dma_start3A_90 = arith.constant 0 : i32
      %dma_start3A_91 = tpu.memref_slice %arg16[%add3A_34, %dma_start3A_90] : memref<10240x64xf32, #tpu.memory_space<vmem_shared>> -> memref<128x64xf32, #tpu.memory_space<vmem_shared>>
      tpu.enqueue_dma source(%dma_start3A_91 : memref<128x64xf32, #tpu.memory_space<vmem_shared>>) target(%dma_start3A_89 : memref<128x64xf32, #tpu.memory_space<hbm>>) target_semaphore(%run_scoped3A_87 : memref<!tpu.dma_semaphore, #tpu.memory_space<semaphore_mem>>)
      %dma_wait3A = arith.constant 0 : i32
      %dma_wait3A_92 = tpu.memref_slice %arg9[%arg0, %add3A_36, %dma_wait3A] : memref<2x10240x64xf32, #tpu.memory_space<hbm>> -> memref<1x128x64xf32, #tpu.memory_space<hbm>>
      %dma_wait3A_93 = tpu.memref_squeeze %dma_wait3A_92 : memref<1x128x64xf32, #tpu.memory_space<hbm>> -> memref<128x64xf32, #tpu.memory_space<hbm>>
      %dma_wait3A_94 = arith.constant 0 : i32
      %dma_wait3A_95 = tpu.memref_slice %arg16[%add3A_34, %dma_wait3A_94] : memref<10240x64xf32, #tpu.memory_space<vmem_shared>> -> memref<128x64xf32, #tpu.memory_space<vmem_shared>>
      tpu.wait_dma2 semaphore(%run_scoped3A_87 : memref<!tpu.dma_semaphore, #tpu.memory_space<semaphore_mem>>) src(%dma_wait3A_95 : memref<128x64xf32, #tpu.memory_space<vmem_shared>>) dst(%dma_wait3A_93 : memref<128x64xf32, #tpu.memory_space<hbm>>)
      tpu.yield
    }) : () -> ()
    %add3A_37 = arith.constant 384 : i32
    %add3A_38 = arith.addi %mul3A_4, %add3A_37 : i32
    %add3A_39 = arith.constant 384 : i32
    %add3A_40 = arith.addi %mul3A_4, %add3A_39 : i32
    "tpu.region"() ({
      %run_scoped3A_87 = tpu.sem_alloc : memref<!tpu.dma_semaphore, #tpu.memory_space<semaphore_mem>>
      %dma_start3A = arith.constant 0 : i32
      %dma_start3A_88 = tpu.memref_slice %arg9[%arg0, %add3A_40, %dma_start3A] : memref<2x10240x64xf32, #tpu.memory_space<hbm>> -> memref<1x128x64xf32, #tpu.memory_space<hbm>>
      %dma_start3A_89 = tpu.memref_squeeze %dma_start3A_88 : memref<1x128x64xf32, #tpu.memory_space<hbm>> -> memref<128x64xf32, #tpu.memory_space<hbm>>
      %dma_start3A_90 = arith.constant 0 : i32
      %dma_start3A_91 = tpu.memref_slice %arg16[%add3A_38, %dma_start3A_90] : memref<10240x64xf32, #tpu.memory_space<vmem_shared>> -> memref<128x64xf32, #tpu.memory_space<vmem_shared>>
      tpu.enqueue_dma source(%dma_start3A_91 : memref<128x64xf32, #tpu.memory_space<vmem_shared>>) target(%dma_start3A_89 : memref<128x64xf32, #tpu.memory_space<hbm>>) target_semaphore(%run_scoped3A_87 : memref<!tpu.dma_semaphore, #tpu.memory_space<semaphore_mem>>)
      %dma_wait3A = arith.constant 0 : i32
      %dma_wait3A_92 = tpu.memref_slice %arg9[%arg0, %add3A_40, %dma_wait3A] : memref<2x10240x64xf32, #tpu.memory_space<hbm>> -> memref<1x128x64xf32, #tpu.memory_space<hbm>>
      %dma_wait3A_93 = tpu.memref_squeeze %dma_wait3A_92 : memref<1x128x64xf32, #tpu.memory_space<hbm>> -> memref<128x64xf32, #tpu.memory_space<hbm>>
      %dma_wait3A_94 = arith.constant 0 : i32
      %dma_wait3A_95 = tpu.memref_slice %arg16[%add3A_38, %dma_wait3A_94] : memref<10240x64xf32, #tpu.memory_space<vmem_shared>> -> memref<128x64xf32, #tpu.memory_space<vmem_shared>>
      tpu.wait_dma2 semaphore(%run_scoped3A_87 : memref<!tpu.dma_semaphore, #tpu.memory_space<semaphore_mem>>) src(%dma_wait3A_95 : memref<128x64xf32, #tpu.memory_space<vmem_shared>>) dst(%dma_wait3A_93 : memref<128x64xf32, #tpu.memory_space<hbm>>)
      tpu.yield
    }) : () -> ()
    %add3A_41 = arith.constant 512 : i32
    %add3A_42 = arith.addi %mul3A_4, %add3A_41 : i32
    %add3A_43 = arith.constant 512 : i32
    %add3A_44 = arith.addi %mul3A_4, %add3A_43 : i32
    "tpu.region"() ({
      %run_scoped3A_87 = tpu.sem_alloc : memref<!tpu.dma_semaphore, #tpu.memory_space<semaphore_mem>>
      %dma_start3A = arith.constant 0 : i32
      %dma_start3A_88 = tpu.memref_slice %arg9[%arg0, %add3A_44, %dma_start3A] : memref<2x10240x64xf32, #tpu.memory_space<hbm>> -> memref<1x128x64xf32, #tpu.memory_space<hbm>>
      %dma_start3A_89 = tpu.memref_squeeze %dma_start3A_88 : memref<1x128x64xf32, #tpu.memory_space<hbm>> -> memref<128x64xf32, #tpu.memory_space<hbm>>
      %dma_start3A_90 = arith.constant 0 : i32
      %dma_start3A_91 = tpu.memref_slice %arg16[%add3A_42, %dma_start3A_90] : memref<10240x64xf32, #tpu.memory_space<vmem_shared>> -> memref<128x64xf32, #tpu.memory_space<vmem_shared>>
      tpu.enqueue_dma source(%dma_start3A_91 : memref<128x64xf32, #tpu.memory_space<vmem_shared>>) target(%dma_start3A_89 : memref<128x64xf32, #tpu.memory_space<hbm>>) target_semaphore(%run_scoped3A_87 : memref<!tpu.dma_semaphore, #tpu.memory_space<semaphore_mem>>)
      %dma_wait3A = arith.constant 0 : i32
      %dma_wait3A_92 = tpu.memref_slice %arg9[%arg0, %add3A_44, %dma_wait3A] : memref<2x10240x64xf32, #tpu.memory_space<hbm>> -> memref<1x128x64xf32, #tpu.memory_space<hbm>>
      %dma_wait3A_93 = tpu.memref_squeeze %dma_wait3A_92 : memref<1x128x64xf32, #tpu.memory_space<hbm>> -> memref<128x64xf32, #tpu.memory_space<hbm>>
      %dma_wait3A_94 = arith.constant 0 : i32
      %dma_wait3A_95 = tpu.memref_slice %arg16[%add3A_42, %dma_wait3A_94] : memref<10240x64xf32, #tpu.memory_space<vmem_shared>> -> memref<128x64xf32, #tpu.memory_space<vmem_shared>>
      tpu.wait_dma2 semaphore(%run_scoped3A_87 : memref<!tpu.dma_semaphore, #tpu.memory_space<semaphore_mem>>) src(%dma_wait3A_95 : memref<128x64xf32, #tpu.memory_space<vmem_shared>>) dst(%dma_wait3A_93 : memref<128x64xf32, #tpu.memory_space<hbm>>)
      tpu.yield
    }) : () -> ()
    %run_scoped3A = arith.constant 0 : i32
    "tpu.region"() ({
      %run_scoped3A_87 = tpu.sem_alloc : memref<!tpu.dma_semaphore, #tpu.memory_space<semaphore_mem>>
      %dma_start3A = tpu.memref_slice %arg11[%arg0, %run_scoped3A, %mul3A_4] : memref<2x1x10240xf32, #tpu.memory_space<hbm>> -> memref<1x1x640xf32, #tpu.memory_space<hbm>>
      %dma_start3A_88 = tpu.memref_squeeze %dma_start3A : memref<1x1x640xf32, #tpu.memory_space<hbm>> -> memref<640xf32, #tpu.memory_space<hbm>>
      %dma_start3A_89 = tpu.memref_slice %arg17[%mul3A_4] : memref<10240xf32, #tpu.memory_space<vmem_shared>> -> memref<640xf32, #tpu.memory_space<vmem_shared>>
      tpu.enqueue_dma source(%dma_start3A_89 : memref<640xf32, #tpu.memory_space<vmem_shared>>) target(%dma_start3A_88 : memref<640xf32, #tpu.memory_space<hbm>>) target_semaphore(%run_scoped3A_87 : memref<!tpu.dma_semaphore, #tpu.memory_space<semaphore_mem>>)
      %dma_wait3A = tpu.memref_slice %arg11[%arg0, %run_scoped3A, %mul3A_4] : memref<2x1x10240xf32, #tpu.memory_space<hbm>> -> memref<1x1x640xf32, #tpu.memory_space<hbm>>
      %dma_wait3A_90 = tpu.memref_squeeze %dma_wait3A : memref<1x1x640xf32, #tpu.memory_space<hbm>> -> memref<640xf32, #tpu.memory_space<hbm>>
      %dma_wait3A_91 = tpu.memref_slice %arg17[%mul3A_4] : memref<10240xf32, #tpu.memory_space<vmem_shared>> -> memref<640xf32, #tpu.memory_space<vmem_shared>>
      tpu.wait_dma2 semaphore(%run_scoped3A_87 : memref<!tpu.dma_semaphore, #tpu.memory_space<semaphore_mem>>) src(%dma_wait3A_91 : memref<640xf32, #tpu.memory_space<vmem_shared>>) dst(%dma_wait3A_90 : memref<640xf32, #tpu.memory_space<hbm>>)
      tpu.yield
    }) : () -> ()
    %add3A_45 = arith.constant 0 : i32
    %add3A_46 = arith.addi %mul3A_4, %add3A_45 : i32
    "tpu.region"() ({
      %run_scoped3A_87 = tpu.sem_alloc : memref<!tpu.dma_semaphore, #tpu.memory_space<semaphore_mem>>
      %dma_start3A = arith.constant 0 : i32
      %dma_start3A_88 = arith.constant 0 : i32
      %dma_start3A_89 = tpu.memref_slice %arg14[%dma_start3A, %dma_start3A_88] : memref<128x64xf32, #tpu.memory_space<vmem>> -> memref<128x64xf32, #tpu.memory_space<vmem>>
      %dma_start3A_90 = arith.constant 0 : i32
      %dma_start3A_91 = tpu.memref_slice %arg16[%add3A_46, %dma_start3A_90] : memref<10240x64xf32, #tpu.memory_space<vmem_shared>> -> memref<128x64xf32, #tpu.memory_space<vmem_shared>>
      %dma_start3A_92 = arith.constant 0 : i32
      %dma_start3A_93 = tpu.memref_slice %arg16[%add3A_46, %dma_start3A_92] : memref<10240x64xf32, #tpu.memory_space<vmem_shared>> -> memref<128x64xf32, #tpu.memory_space<vmem_shared>>
      %dma_start3A_94 = arith.constant 0 : i32
      %dma_start3A_95 = arith.constant 0 : i32
      %dma_start3A_96 = tpu.memref_slice %arg14[%dma_start3A_94, %dma_start3A_95] : memref<128x64xf32, #tpu.memory_space<vmem>> -> memref<128x64xf32, #tpu.memory_space<vmem>>
      tpu.enqueue_dma source(%dma_start3A_96 : memref<128x64xf32, #tpu.memory_space<vmem>>) target(%dma_start3A_93 : memref<128x64xf32, #tpu.memory_space<vmem_shared>>) target_semaphore(%run_scoped3A_87 : memref<!tpu.dma_semaphore, #tpu.memory_space<semaphore_mem>>)
      %dma_wait3A = arith.constant 0 : i32
      %dma_wait3A_97 = arith.constant 0 : i32
      %dma_wait3A_98 = tpu.memref_slice %arg14[%dma_wait3A, %dma_wait3A_97] : memref<128x64xf32, #tpu.memory_space<vmem>> -> memref<128x64xf32, #tpu.memory_space<vmem>>
      %dma_wait3A_99 = arith.constant 0 : i32
      %dma_wait3A_100 = tpu.memref_slice %arg16[%add3A_46, %dma_wait3A_99] : memref<10240x64xf32, #tpu.memory_space<vmem_shared>> -> memref<128x64xf32, #tpu.memory_space<vmem_shared>>
      %dma_wait3A_101 = arith.constant 0 : i32
      %dma_wait3A_102 = tpu.memref_slice %arg16[%add3A_46, %dma_wait3A_101] : memref<10240x64xf32, #tpu.memory_space<vmem_shared>> -> memref<128x64xf32, #tpu.memory_space<vmem_shared>>
      %dma_wait3A_103 = arith.constant 0 : i32
      %dma_wait3A_104 = arith.constant 0 : i32
      %dma_wait3A_105 = tpu.memref_slice %arg14[%dma_wait3A_103, %dma_wait3A_104] : memref<128x64xf32, #tpu.memory_space<vmem>> -> memref<128x64xf32, #tpu.memory_space<vmem>>
      tpu.wait_dma2 semaphore(%run_scoped3A_87 : memref<!tpu.dma_semaphore, #tpu.memory_space<semaphore_mem>>) src(%dma_wait3A_105 : memref<128x64xf32, #tpu.memory_space<vmem>>) dst(%dma_wait3A_102 : memref<128x64xf32, #tpu.memory_space<vmem_shared>>)
      tpu.yield
    }) : () -> ()
    %add3A_47 = arith.constant 128 : i32
    %add3A_48 = arith.addi %mul3A_4, %add3A_47 : i32
    "tpu.region"() ({
      %run_scoped3A_87 = tpu.sem_alloc : memref<!tpu.dma_semaphore, #tpu.memory_space<semaphore_mem>>
      %dma_start3A = arith.constant 0 : i32
      %dma_start3A_88 = arith.constant 0 : i32
      %dma_start3A_89 = tpu.memref_slice %arg14[%dma_start3A, %dma_start3A_88] : memref<128x64xf32, #tpu.memory_space<vmem>> -> memref<128x64xf32, #tpu.memory_space<vmem>>
      %dma_start3A_90 = arith.constant 0 : i32
      %dma_start3A_91 = tpu.memref_slice %arg16[%add3A_48, %dma_start3A_90] : memref<10240x64xf32, #tpu.memory_space<vmem_shared>> -> memref<128x64xf32, #tpu.memory_space<vmem_shared>>
      %dma_start3A_92 = arith.constant 0 : i32
      %dma_start3A_93 = tpu.memref_slice %arg16[%add3A_48, %dma_start3A_92] : memref<10240x64xf32, #tpu.memory_space<vmem_shared>> -> memref<128x64xf32, #tpu.memory_space<vmem_shared>>
      %dma_start3A_94 = arith.constant 0 : i32
      %dma_start3A_95 = arith.constant 0 : i32
      %dma_start3A_96 = tpu.memref_slice %arg14[%dma_start3A_94, %dma_start3A_95] : memref<128x64xf32, #tpu.memory_space<vmem>> -> memref<128x64xf32, #tpu.memory_space<vmem>>
      tpu.enqueue_dma source(%dma_start3A_96 : memref<128x64xf32, #tpu.memory_space<vmem>>) target(%dma_start3A_93 : memref<128x64xf32, #tpu.memory_space<vmem_shared>>) target_semaphore(%run_scoped3A_87 : memref<!tpu.dma_semaphore, #tpu.memory_space<semaphore_mem>>)
      %dma_wait3A = arith.constant 0 : i32
      %dma_wait3A_97 = arith.constant 0 : i32
      %dma_wait3A_98 = tpu.memref_slice %arg14[%dma_wait3A, %dma_wait3A_97] : memref<128x64xf32, #tpu.memory_space<vmem>> -> memref<128x64xf32, #tpu.memory_space<vmem>>
      %dma_wait3A_99 = arith.constant 0 : i32
      %dma_wait3A_100 = tpu.memref_slice %arg16[%add3A_48, %dma_wait3A_99] : memref<10240x64xf32, #tpu.memory_space<vmem_shared>> -> memref<128x64xf32, #tpu.memory_space<vmem_shared>>
      %dma_wait3A_101 = arith.constant 0 : i32
      %dma_wait3A_102 = tpu.memref_slice %arg16[%add3A_48, %dma_wait3A_101] : memref<10240x64xf32, #tpu.memory_space<vmem_shared>> -> memref<128x64xf32, #tpu.memory_space<vmem_shared>>
      %dma_wait3A_103 = arith.constant 0 : i32
      %dma_wait3A_104 = arith.constant 0 : i32
      %dma_wait3A_105 = tpu.memref_slice %arg14[%dma_wait3A_103, %dma_wait3A_104] : memref<128x64xf32, #tpu.memory_space<vmem>> -> memref<128x64xf32, #tpu.memory_space<vmem>>
      tpu.wait_dma2 semaphore(%run_scoped3A_87 : memref<!tpu.dma_semaphore, #tpu.memory_space<semaphore_mem>>) src(%dma_wait3A_105 : memref<128x64xf32, #tpu.memory_space<vmem>>) dst(%dma_wait3A_102 : memref<128x64xf32, #tpu.memory_space<vmem_shared>>)
      tpu.yield
    }) : () -> ()
    %add3A_49 = arith.constant 256 : i32
    %add3A_50 = arith.addi %mul3A_4, %add3A_49 : i32
    "tpu.region"() ({
      %run_scoped3A_87 = tpu.sem_alloc : memref<!tpu.dma_semaphore, #tpu.memory_space<semaphore_mem>>
      %dma_start3A = arith.constant 0 : i32
      %dma_start3A_88 = arith.constant 0 : i32
      %dma_start3A_89 = tpu.memref_slice %arg14[%dma_start3A, %dma_start3A_88] : memref<128x64xf32, #tpu.memory_space<vmem>> -> memref<128x64xf32, #tpu.memory_space<vmem>>
      %dma_start3A_90 = arith.constant 0 : i32
      %dma_start3A_91 = tpu.memref_slice %arg16[%add3A_50, %dma_start3A_90] : memref<10240x64xf32, #tpu.memory_space<vmem_shared>> -> memref<128x64xf32, #tpu.memory_space<vmem_shared>>
      %dma_start3A_92 = arith.constant 0 : i32
      %dma_start3A_93 = tpu.memref_slice %arg16[%add3A_50, %dma_start3A_92] : memref<10240x64xf32, #tpu.memory_space<vmem_shared>> -> memref<128x64xf32, #tpu.memory_space<vmem_shared>>
      %dma_start3A_94 = arith.constant 0 : i32
      %dma_start3A_95 = arith.constant 0 : i32
      %dma_start3A_96 = tpu.memref_slice %arg14[%dma_start3A_94, %dma_start3A_95] : memref<128x64xf32, #tpu.memory_space<vmem>> -> memref<128x64xf32, #tpu.memory_space<vmem>>
      tpu.enqueue_dma source(%dma_start3A_96 : memref<128x64xf32, #tpu.memory_space<vmem>>) target(%dma_start3A_93 : memref<128x64xf32, #tpu.memory_space<vmem_shared>>) target_semaphore(%run_scoped3A_87 : memref<!tpu.dma_semaphore, #tpu.memory_space<semaphore_mem>>)
      %dma_wait3A = arith.constant 0 : i32
      %dma_wait3A_97 = arith.constant 0 : i32
      %dma_wait3A_98 = tpu.memref_slice %arg14[%dma_wait3A, %dma_wait3A_97] : memref<128x64xf32, #tpu.memory_space<vmem>> -> memref<128x64xf32, #tpu.memory_space<vmem>>
      %dma_wait3A_99 = arith.constant 0 : i32
      %dma_wait3A_100 = tpu.memref_slice %arg16[%add3A_50, %dma_wait3A_99] : memref<10240x64xf32, #tpu.memory_space<vmem_shared>> -> memref<128x64xf32, #tpu.memory_space<vmem_shared>>
      %dma_wait3A_101 = arith.constant 0 : i32
      %dma_wait3A_102 = tpu.memref_slice %arg16[%add3A_50, %dma_wait3A_101] : memref<10240x64xf32, #tpu.memory_space<vmem_shared>> -> memref<128x64xf32, #tpu.memory_space<vmem_shared>>
      %dma_wait3A_103 = arith.constant 0 : i32
      %dma_wait3A_104 = arith.constant 0 : i32
      %dma_wait3A_105 = tpu.memref_slice %arg14[%dma_wait3A_103, %dma_wait3A_104] : memref<128x64xf32, #tpu.memory_space<vmem>> -> memref<128x64xf32, #tpu.memory_space<vmem>>
      tpu.wait_dma2 semaphore(%run_scoped3A_87 : memref<!tpu.dma_semaphore, #tpu.memory_space<semaphore_mem>>) src(%dma_wait3A_105 : memref<128x64xf32, #tpu.memory_space<vmem>>) dst(%dma_wait3A_102 : memref<128x64xf32, #tpu.memory_space<vmem_shared>>)
      tpu.yield
    }) : () -> ()
    %add3A_51 = arith.constant 384 : i32
    %add3A_52 = arith.addi %mul3A_4, %add3A_51 : i32
    "tpu.region"() ({
      %run_scoped3A_87 = tpu.sem_alloc : memref<!tpu.dma_semaphore, #tpu.memory_space<semaphore_mem>>
      %dma_start3A = arith.constant 0 : i32
      %dma_start3A_88 = arith.constant 0 : i32
      %dma_start3A_89 = tpu.memref_slice %arg14[%dma_start3A, %dma_start3A_88] : memref<128x64xf32, #tpu.memory_space<vmem>> -> memref<128x64xf32, #tpu.memory_space<vmem>>
      %dma_start3A_90 = arith.constant 0 : i32
      %dma_start3A_91 = tpu.memref_slice %arg16[%add3A_52, %dma_start3A_90] : memref<10240x64xf32, #tpu.memory_space<vmem_shared>> -> memref<128x64xf32, #tpu.memory_space<vmem_shared>>
      %dma_start3A_92 = arith.constant 0 : i32
      %dma_start3A_93 = tpu.memref_slice %arg16[%add3A_52, %dma_start3A_92] : memref<10240x64xf32, #tpu.memory_space<vmem_shared>> -> memref<128x64xf32, #tpu.memory_space<vmem_shared>>
      %dma_start3A_94 = arith.constant 0 : i32
      %dma_start3A_95 = arith.constant 0 : i32
      %dma_start3A_96 = tpu.memref_slice %arg14[%dma_start3A_94, %dma_start3A_95] : memref<128x64xf32, #tpu.memory_space<vmem>> -> memref<128x64xf32, #tpu.memory_space<vmem>>
      tpu.enqueue_dma source(%dma_start3A_96 : memref<128x64xf32, #tpu.memory_space<vmem>>) target(%dma_start3A_93 : memref<128x64xf32, #tpu.memory_space<vmem_shared>>) target_semaphore(%run_scoped3A_87 : memref<!tpu.dma_semaphore, #tpu.memory_space<semaphore_mem>>)
      %dma_wait3A = arith.constant 0 : i32
      %dma_wait3A_97 = arith.constant 0 : i32
      %dma_wait3A_98 = tpu.memref_slice %arg14[%dma_wait3A, %dma_wait3A_97] : memref<128x64xf32, #tpu.memory_space<vmem>> -> memref<128x64xf32, #tpu.memory_space<vmem>>
      %dma_wait3A_99 = arith.constant 0 : i32
      %dma_wait3A_100 = tpu.memref_slice %arg16[%add3A_52, %dma_wait3A_99] : memref<10240x64xf32, #tpu.memory_space<vmem_shared>> -> memref<128x64xf32, #tpu.memory_space<vmem_shared>>
      %dma_wait3A_101 = arith.constant 0 : i32
      %dma_wait3A_102 = tpu.memref_slice %arg16[%add3A_52, %dma_wait3A_101] : memref<10240x64xf32, #tpu.memory_space<vmem_shared>> -> memref<128x64xf32, #tpu.memory_space<vmem_shared>>
      %dma_wait3A_103 = arith.constant 0 : i32
      %dma_wait3A_104 = arith.constant 0 : i32
      %dma_wait3A_105 = tpu.memref_slice %arg14[%dma_wait3A_103, %dma_wait3A_104] : memref<128x64xf32, #tpu.memory_space<vmem>> -> memref<128x64xf32, #tpu.memory_space<vmem>>
      tpu.wait_dma2 semaphore(%run_scoped3A_87 : memref<!tpu.dma_semaphore, #tpu.memory_space<semaphore_mem>>) src(%dma_wait3A_105 : memref<128x64xf32, #tpu.memory_space<vmem>>) dst(%dma_wait3A_102 : memref<128x64xf32, #tpu.memory_space<vmem_shared>>)
      tpu.yield
    }) : () -> ()
    %add3A_53 = arith.constant 512 : i32
    %add3A_54 = arith.addi %mul3A_4, %add3A_53 : i32
    "tpu.region"() ({
      %run_scoped3A_87 = tpu.sem_alloc : memref<!tpu.dma_semaphore, #tpu.memory_space<semaphore_mem>>
      %dma_start3A = arith.constant 0 : i32
      %dma_start3A_88 = arith.constant 0 : i32
      %dma_start3A_89 = tpu.memref_slice %arg14[%dma_start3A, %dma_start3A_88] : memref<128x64xf32, #tpu.memory_space<vmem>> -> memref<128x64xf32, #tpu.memory_space<vmem>>
      %dma_start3A_90 = arith.constant 0 : i32
      %dma_start3A_91 = tpu.memref_slice %arg16[%add3A_54, %dma_start3A_90] : memref<10240x64xf32, #tpu.memory_space<vmem_shared>> -> memref<128x64xf32, #tpu.memory_space<vmem_shared>>
      %dma_start3A_92 = arith.constant 0 : i32
      %dma_start3A_93 = tpu.memref_slice %arg16[%add3A_54, %dma_start3A_92] : memref<10240x64xf32, #tpu.memory_space<vmem_shared>> -> memref<128x64xf32, #tpu.memory_space<vmem_shared>>
      %dma_start3A_94 = arith.constant 0 : i32
      %dma_start3A_95 = arith.constant 0 : i32
      %dma_start3A_96 = tpu.memref_slice %arg14[%dma_start3A_94, %dma_start3A_95] : memref<128x64xf32, #tpu.memory_space<vmem>> -> memref<128x64xf32, #tpu.memory_space<vmem>>
      tpu.enqueue_dma source(%dma_start3A_96 : memref<128x64xf32, #tpu.memory_space<vmem>>) target(%dma_start3A_93 : memref<128x64xf32, #tpu.memory_space<vmem_shared>>) target_semaphore(%run_scoped3A_87 : memref<!tpu.dma_semaphore, #tpu.memory_space<semaphore_mem>>)
      %dma_wait3A = arith.constant 0 : i32
      %dma_wait3A_97 = arith.constant 0 : i32
      %dma_wait3A_98 = tpu.memref_slice %arg14[%dma_wait3A, %dma_wait3A_97] : memref<128x64xf32, #tpu.memory_space<vmem>> -> memref<128x64xf32, #tpu.memory_space<vmem>>
      %dma_wait3A_99 = arith.constant 0 : i32
      %dma_wait3A_100 = tpu.memref_slice %arg16[%add3A_54, %dma_wait3A_99] : memref<10240x64xf32, #tpu.memory_space<vmem_shared>> -> memref<128x64xf32, #tpu.memory_space<vmem_shared>>
      %dma_wait3A_101 = arith.constant 0 : i32
      %dma_wait3A_102 = tpu.memref_slice %arg16[%add3A_54, %dma_wait3A_101] : memref<10240x64xf32, #tpu.memory_space<vmem_shared>> -> memref<128x64xf32, #tpu.memory_space<vmem_shared>>
      %dma_wait3A_103 = arith.constant 0 : i32
      %dma_wait3A_104 = arith.constant 0 : i32
      %dma_wait3A_105 = tpu.memref_slice %arg14[%dma_wait3A_103, %dma_wait3A_104] : memref<128x64xf32, #tpu.memory_space<vmem>> -> memref<128x64xf32, #tpu.memory_space<vmem>>
      tpu.wait_dma2 semaphore(%run_scoped3A_87 : memref<!tpu.dma_semaphore, #tpu.memory_space<semaphore_mem>>) src(%dma_wait3A_105 : memref<128x64xf32, #tpu.memory_space<vmem>>) dst(%dma_wait3A_102 : memref<128x64xf32, #tpu.memory_space<vmem_shared>>)
      tpu.yield
    }) : () -> ()
    %barrier3A_55 = arith.constant 0 : index
    tpu.barrier barrier_id(%barrier3A_55)
    %while3A_56 = arith.constant 0 : i32
    %while3A_57 = arith.constant 0 : i32
    %while3A_58 = arith.subi %select_n3A, %while3A_57 : i32
    %while3A_59 = arith.addi %while3A_57, %while3A_58 : i32
    %while3A_60 = arith.constant 1 : i32
    %while3A_61 = arith.divsi %while3A_58, %while3A_60 : i32
    %while3A_62 = arith.muli %while3A_61, %while3A_60 : i32
    %while3A_63 = arith.addi %while3A_57, %while3A_62 : i32
    %while3A_64 = arith.constant 1 : i32
    scf.for %while3A_87 = %while3A_57 to %while3A_63 step %while3A_64  : i32 {
      "tpu.region"() ({
        %run_scoped3A_88 = tpu.sem_alloc : memref<!tpu.dma_semaphore, #tpu.memory_space<semaphore_mem>>
        %dma_start3A = arith.constant 0 : i32
        %dma_start3A_89 = tpu.memref_slice %arg12[%while3A_87, %dma_start3A] : memref<97x128xi32, #tpu.memory_space<vmem>> -> memref<1x128xi32, #tpu.memory_space<vmem>>
        %dma_start3A_90 = tpu.memref_squeeze %dma_start3A_89 : memref<1x128xi32, #tpu.memory_space<vmem>> -> memref<128xi32, #tpu.memory_space<vmem>>
        %dma_start3A_91 = arith.constant 0 : i32
        %dma_start3A_92 = arith.constant 0 : i32
        %dma_start3A_93 = tpu.memref_slice %arg3[%dma_start3A_91, %dma_start3A_92] : memref<10000x64xf32, #tpu.memory_space<hbm>> -> memref<10000x64xf32, #tpu.memory_space<hbm>>
        tpu.enqueue_indirect_dma source(%dma_start3A_93 : memref<10000x64xf32, #tpu.memory_space<hbm>>) target(%arg18 : memref<128x64xf32, #tpu.memory_space<vmem>>) offsets(%dma_start3A_90 : memref<128xi32, #tpu.memory_space<vmem>>) semaphore(%run_scoped3A_88 : memref<!tpu.dma_semaphore, #tpu.memory_space<semaphore_mem>>)
        %dma_wait3A = arith.constant 0 : i32
        %dma_wait3A_94 = tpu.memref_slice %arg12[%while3A_87, %dma_wait3A] : memref<97x128xi32, #tpu.memory_space<vmem>> -> memref<1x128xi32, #tpu.memory_space<vmem>>
        %dma_wait3A_95 = tpu.memref_squeeze %dma_wait3A_94 : memref<1x128xi32, #tpu.memory_space<vmem>> -> memref<128xi32, #tpu.memory_space<vmem>>
        %dma_wait3A_96 = arith.constant 0 : i32
        %dma_wait3A_97 = arith.constant 0 : i32
        %dma_wait3A_98 = tpu.memref_slice %arg3[%dma_wait3A_96, %dma_wait3A_97] : memref<10000x64xf32, #tpu.memory_space<hbm>> -> memref<10000x64xf32, #tpu.memory_space<hbm>>
        tpu.wait_indirect_dma semaphore(%run_scoped3A_88 : memref<!tpu.dma_semaphore, #tpu.memory_space<semaphore_mem>>) src(%dma_wait3A_98 : memref<10000x64xf32, #tpu.memory_space<hbm>>) dst(%arg18 : memref<128x64xf32, #tpu.memory_space<vmem>>)
        tpu.yield
      }) : () -> ()
      "tpu.region"() ({
        %run_scoped3A_88 = tpu.sem_alloc : memref<!tpu.dma_semaphore, #tpu.memory_space<semaphore_mem>>
        %dma_start3A = arith.constant 0 : i32
        %dma_start3A_89 = tpu.memref_slice %arg13[%while3A_87, %dma_start3A] : memref<97x128xi32, #tpu.memory_space<vmem>> -> memref<1x128xi32, #tpu.memory_space<vmem>>
        %dma_start3A_90 = tpu.memref_squeeze %dma_start3A_89 : memref<1x128xi32, #tpu.memory_space<vmem>> -> memref<128xi32, #tpu.memory_space<vmem>>
        %dma_start3A_91 = arith.constant 0 : i32
        %dma_start3A_92 = arith.constant 0 : i32
        %dma_start3A_93 = tpu.memref_slice %arg16[%dma_start3A_91, %dma_start3A_92] : memref<10240x64xf32, #tpu.memory_space<vmem_shared>> -> memref<10240x64xf32, #tpu.memory_space<vmem_shared>>
        tpu.enqueue_indirect_dma source(%arg18 : memref<128x64xf32, #tpu.memory_space<vmem>>) target(%dma_start3A_93 : memref<10240x64xf32, #tpu.memory_space<vmem_shared>>) offsets(%dma_start3A_90 : memref<128xi32, #tpu.memory_space<vmem>>) semaphore(%run_scoped3A_88 : memref<!tpu.dma_semaphore, #tpu.memory_space<semaphore_mem>>) {add = true}
        %dma_wait3A = arith.constant 0 : i32
        %dma_wait3A_94 = tpu.memref_slice %arg13[%while3A_87, %dma_wait3A] : memref<97x128xi32, #tpu.memory_space<vmem>> -> memref<1x128xi32, #tpu.memory_space<vmem>>
        %dma_wait3A_95 = tpu.memref_squeeze %dma_wait3A_94 : memref<1x128xi32, #tpu.memory_space<vmem>> -> memref<128xi32, #tpu.memory_space<vmem>>
        %dma_wait3A_96 = arith.constant 0 : i32
        %dma_wait3A_97 = arith.constant 0 : i32
        %dma_wait3A_98 = tpu.memref_slice %arg16[%dma_wait3A_96, %dma_wait3A_97] : memref<10240x64xf32, #tpu.memory_space<vmem_shared>> -> memref<10240x64xf32, #tpu.memory_space<vmem_shared>>
        tpu.wait_indirect_dma semaphore(%run_scoped3A_88 : memref<!tpu.dma_semaphore, #tpu.memory_space<semaphore_mem>>) src(%arg18 : memref<128x64xf32, #tpu.memory_space<vmem>>) dst(%dma_wait3A_98 : memref<10240x64xf32, #tpu.memory_space<vmem_shared>>)
        tpu.yield
      }) : () -> ()
    }
    %while3A_65 = arith.constant 1 : i32
    scf.for %while3A_87 = %while3A_63 to %while3A_59 step %while3A_65  : i32 {
      "tpu.region"() ({
        %run_scoped3A_88 = tpu.sem_alloc : memref<!tpu.dma_semaphore, #tpu.memory_space<semaphore_mem>>
        %dma_start3A = arith.constant 0 : i32
        %dma_start3A_89 = tpu.memref_slice %arg12[%while3A_87, %dma_start3A] : memref<97x128xi32, #tpu.memory_space<vmem>> -> memref<1x128xi32, #tpu.memory_space<vmem>>
        %dma_start3A_90 = tpu.memref_squeeze %dma_start3A_89 : memref<1x128xi32, #tpu.memory_space<vmem>> -> memref<128xi32, #tpu.memory_space<vmem>>
        %dma_start3A_91 = arith.constant 0 : i32
        %dma_start3A_92 = arith.constant 0 : i32
        %dma_start3A_93 = tpu.memref_slice %arg3[%dma_start3A_91, %dma_start3A_92] : memref<10000x64xf32, #tpu.memory_space<hbm>> -> memref<10000x64xf32, #tpu.memory_space<hbm>>
        tpu.enqueue_indirect_dma source(%dma_start3A_93 : memref<10000x64xf32, #tpu.memory_space<hbm>>) target(%arg18 : memref<128x64xf32, #tpu.memory_space<vmem>>) offsets(%dma_start3A_90 : memref<128xi32, #tpu.memory_space<vmem>>) semaphore(%run_scoped3A_88 : memref<!tpu.dma_semaphore, #tpu.memory_space<semaphore_mem>>)
        %dma_wait3A = arith.constant 0 : i32
        %dma_wait3A_94 = tpu.memref_slice %arg12[%while3A_87, %dma_wait3A] : memref<97x128xi32, #tpu.memory_space<vmem>> -> memref<1x128xi32, #tpu.memory_space<vmem>>
        %dma_wait3A_95 = tpu.memref_squeeze %dma_wait3A_94 : memref<1x128xi32, #tpu.memory_space<vmem>> -> memref<128xi32, #tpu.memory_space<vmem>>
        %dma_wait3A_96 = arith.constant 0 : i32
        %dma_wait3A_97 = arith.constant 0 : i32
        %dma_wait3A_98 = tpu.memref_slice %arg3[%dma_wait3A_96, %dma_wait3A_97] : memref<10000x64xf32, #tpu.memory_space<hbm>> -> memref<10000x64xf32, #tpu.memory_space<hbm>>
        tpu.wait_indirect_dma semaphore(%run_scoped3A_88 : memref<!tpu.dma_semaphore, #tpu.memory_space<semaphore_mem>>) src(%dma_wait3A_98 : memref<10000x64xf32, #tpu.memory_space<hbm>>) dst(%arg18 : memref<128x64xf32, #tpu.memory_space<vmem>>)
        tpu.yield
      }) : () -> ()
      "tpu.region"() ({
        %run_scoped3A_88 = tpu.sem_alloc : memref<!tpu.dma_semaphore, #tpu.memory_space<semaphore_mem>>
        %dma_start3A = arith.constant 0 : i32
        %dma_start3A_89 = tpu.memref_slice %arg13[%while3A_87, %dma_start3A] : memref<97x128xi32, #tpu.memory_space<vmem>> -> memref<1x128xi32, #tpu.memory_space<vmem>>
        %dma_start3A_90 = tpu.memref_squeeze %dma_start3A_89 : memref<1x128xi32, #tpu.memory_space<vmem>> -> memref<128xi32, #tpu.memory_space<vmem>>
        %dma_start3A_91 = arith.constant 0 : i32
        %dma_start3A_92 = arith.constant 0 : i32
        %dma_start3A_93 = tpu.memref_slice %arg16[%dma_start3A_91, %dma_start3A_92] : memref<10240x64xf32, #tpu.memory_space<vmem_shared>> -> memref<10240x64xf32, #tpu.memory_space<vmem_shared>>
        tpu.enqueue_indirect_dma source(%arg18 : memref<128x64xf32, #tpu.memory_space<vmem>>) target(%dma_start3A_93 : memref<10240x64xf32, #tpu.memory_space<vmem_shared>>) offsets(%dma_start3A_90 : memref<128xi32, #tpu.memory_space<vmem>>) semaphore(%run_scoped3A_88 : memref<!tpu.dma_semaphore, #tpu.memory_space<semaphore_mem>>) {add = true}
        %dma_wait3A = arith.constant 0 : i32
        %dma_wait3A_94 = tpu.memref_slice %arg13[%while3A_87, %dma_wait3A] : memref<97x128xi32, #tpu.memory_space<vmem>> -> memref<1x128xi32, #tpu.memory_space<vmem>>
        %dma_wait3A_95 = tpu.memref_squeeze %dma_wait3A_94 : memref<1x128xi32, #tpu.memory_space<vmem>> -> memref<128xi32, #tpu.memory_space<vmem>>
        %dma_wait3A_96 = arith.constant 0 : i32
        %dma_wait3A_97 = arith.constant 0 : i32
        %dma_wait3A_98 = tpu.memref_slice %arg16[%dma_wait3A_96, %dma_wait3A_97] : memref<10240x64xf32, #tpu.memory_space<vmem_shared>> -> memref<10240x64xf32, #tpu.memory_space<vmem_shared>>
        tpu.wait_indirect_dma semaphore(%run_scoped3A_88 : memref<!tpu.dma_semaphore, #tpu.memory_space<semaphore_mem>>) src(%arg18 : memref<128x64xf32, #tpu.memory_space<vmem>>) dst(%dma_wait3A_98 : memref<10240x64xf32, #tpu.memory_space<vmem_shared>>)
        tpu.yield
      }) : () -> ()
    }
    %barrier3A_66 = arith.constant 0 : index
    tpu.barrier barrier_id(%barrier3A_66)
    %add3A_67 = arith.constant 0 : i32
    %add3A_68 = arith.addi %mul3A_4, %add3A_67 : i32
    %add3A_69 = arith.constant 0 : i32
    %add3A_70 = arith.addi %mul3A_4, %add3A_69 : i32
    "tpu.region"() ({
      %run_scoped3A_87 = tpu.sem_alloc : memref<!tpu.dma_semaphore, #tpu.memory_space<semaphore_mem>>
      %dma_start3A = arith.constant 0 : i32
      %dma_start3A_88 = tpu.memref_slice %arg10[%arg0, %add3A_70, %dma_start3A] : memref<2x10240x64xf32, #tpu.memory_space<hbm>> -> memref<1x128x64xf32, #tpu.memory_space<hbm>>
      %dma_start3A_89 = tpu.memref_squeeze %dma_start3A_88 : memref<1x128x64xf32, #tpu.memory_space<hbm>> -> memref<128x64xf32, #tpu.memory_space<hbm>>
      %dma_start3A_90 = arith.constant 0 : i32
      %dma_start3A_91 = tpu.memref_slice %arg16[%add3A_68, %dma_start3A_90] : memref<10240x64xf32, #tpu.memory_space<vmem_shared>> -> memref<128x64xf32, #tpu.memory_space<vmem_shared>>
      tpu.enqueue_dma source(%dma_start3A_91 : memref<128x64xf32, #tpu.memory_space<vmem_shared>>) target(%dma_start3A_89 : memref<128x64xf32, #tpu.memory_space<hbm>>) target_semaphore(%run_scoped3A_87 : memref<!tpu.dma_semaphore, #tpu.memory_space<semaphore_mem>>)
      %dma_wait3A = arith.constant 0 : i32
      %dma_wait3A_92 = tpu.memref_slice %arg10[%arg0, %add3A_70, %dma_wait3A] : memref<2x10240x64xf32, #tpu.memory_space<hbm>> -> memref<1x128x64xf32, #tpu.memory_space<hbm>>
      %dma_wait3A_93 = tpu.memref_squeeze %dma_wait3A_92 : memref<1x128x64xf32, #tpu.memory_space<hbm>> -> memref<128x64xf32, #tpu.memory_space<hbm>>
      %dma_wait3A_94 = arith.constant 0 : i32
      %dma_wait3A_95 = tpu.memref_slice %arg16[%add3A_68, %dma_wait3A_94] : memref<10240x64xf32, #tpu.memory_space<vmem_shared>> -> memref<128x64xf32, #tpu.memory_space<vmem_shared>>
      tpu.wait_dma2 semaphore(%run_scoped3A_87 : memref<!tpu.dma_semaphore, #tpu.memory_space<semaphore_mem>>) src(%dma_wait3A_95 : memref<128x64xf32, #tpu.memory_space<vmem_shared>>) dst(%dma_wait3A_93 : memref<128x64xf32, #tpu.memory_space<hbm>>)
      tpu.yield
    }) : () -> ()
    %add3A_71 = arith.constant 128 : i32
    %add3A_72 = arith.addi %mul3A_4, %add3A_71 : i32
    %add3A_73 = arith.constant 128 : i32
    %add3A_74 = arith.addi %mul3A_4, %add3A_73 : i32
    "tpu.region"() ({
      %run_scoped3A_87 = tpu.sem_alloc : memref<!tpu.dma_semaphore, #tpu.memory_space<semaphore_mem>>
      %dma_start3A = arith.constant 0 : i32
      %dma_start3A_88 = tpu.memref_slice %arg10[%arg0, %add3A_74, %dma_start3A] : memref<2x10240x64xf32, #tpu.memory_space<hbm>> -> memref<1x128x64xf32, #tpu.memory_space<hbm>>
      %dma_start3A_89 = tpu.memref_squeeze %dma_start3A_88 : memref<1x128x64xf32, #tpu.memory_space<hbm>> -> memref<128x64xf32, #tpu.memory_space<hbm>>
      %dma_start3A_90 = arith.constant 0 : i32
      %dma_start3A_91 = tpu.memref_slice %arg16[%add3A_72, %dma_start3A_90] : memref<10240x64xf32, #tpu.memory_space<vmem_shared>> -> memref<128x64xf32, #tpu.memory_space<vmem_shared>>
      tpu.enqueue_dma source(%dma_start3A_91 : memref<128x64xf32, #tpu.memory_space<vmem_shared>>) target(%dma_start3A_89 : memref<128x64xf32, #tpu.memory_space<hbm>>) target_semaphore(%run_scoped3A_87 : memref<!tpu.dma_semaphore, #tpu.memory_space<semaphore_mem>>)
      %dma_wait3A = arith.constant 0 : i32
      %dma_wait3A_92 = tpu.memref_slice %arg10[%arg0, %add3A_74, %dma_wait3A] : memref<2x10240x64xf32, #tpu.memory_space<hbm>> -> memref<1x128x64xf32, #tpu.memory_space<hbm>>
      %dma_wait3A_93 = tpu.memref_squeeze %dma_wait3A_92 : memref<1x128x64xf32, #tpu.memory_space<hbm>> -> memref<128x64xf32, #tpu.memory_space<hbm>>
      %dma_wait3A_94 = arith.constant 0 : i32
      %dma_wait3A_95 = tpu.memref_slice %arg16[%add3A_72, %dma_wait3A_94] : memref<10240x64xf32, #tpu.memory_space<vmem_shared>> -> memref<128x64xf32, #tpu.memory_space<vmem_shared>>
      tpu.wait_dma2 semaphore(%run_scoped3A_87 : memref<!tpu.dma_semaphore, #tpu.memory_space<semaphore_mem>>) src(%dma_wait3A_95 : memref<128x64xf32, #tpu.memory_space<vmem_shared>>) dst(%dma_wait3A_93 : memref<128x64xf32, #tpu.memory_space<hbm>>)
      tpu.yield
    }) : () -> ()
    %add3A_75 = arith.constant 256 : i32
    %add3A_76 = arith.addi %mul3A_4, %add3A_75 : i32
    %add3A_77 = arith.constant 256 : i32
    %add3A_78 = arith.addi %mul3A_4, %add3A_77 : i32
    "tpu.region"() ({
      %run_scoped3A_87 = tpu.sem_alloc : memref<!tpu.dma_semaphore, #tpu.memory_space<semaphore_mem>>
      %dma_start3A = arith.constant 0 : i32
      %dma_start3A_88 = tpu.memref_slice %arg10[%arg0, %add3A_78, %dma_start3A] : memref<2x10240x64xf32, #tpu.memory_space<hbm>> -> memref<1x128x64xf32, #tpu.memory_space<hbm>>
      %dma_start3A_89 = tpu.memref_squeeze %dma_start3A_88 : memref<1x128x64xf32, #tpu.memory_space<hbm>> -> memref<128x64xf32, #tpu.memory_space<hbm>>
      %dma_start3A_90 = arith.constant 0 : i32
      %dma_start3A_91 = tpu.memref_slice %arg16[%add3A_76, %dma_start3A_90] : memref<10240x64xf32, #tpu.memory_space<vmem_shared>> -> memref<128x64xf32, #tpu.memory_space<vmem_shared>>
      tpu.enqueue_dma source(%dma_start3A_91 : memref<128x64xf32, #tpu.memory_space<vmem_shared>>) target(%dma_start3A_89 : memref<128x64xf32, #tpu.memory_space<hbm>>) target_semaphore(%run_scoped3A_87 : memref<!tpu.dma_semaphore, #tpu.memory_space<semaphore_mem>>)
      %dma_wait3A = arith.constant 0 : i32
      %dma_wait3A_92 = tpu.memref_slice %arg10[%arg0, %add3A_78, %dma_wait3A] : memref<2x10240x64xf32, #tpu.memory_space<hbm>> -> memref<1x128x64xf32, #tpu.memory_space<hbm>>
      %dma_wait3A_93 = tpu.memref_squeeze %dma_wait3A_92 : memref<1x128x64xf32, #tpu.memory_space<hbm>> -> memref<128x64xf32, #tpu.memory_space<hbm>>
      %dma_wait3A_94 = arith.constant 0 : i32
      %dma_wait3A_95 = tpu.memref_slice %arg16[%add3A_76, %dma_wait3A_94] : memref<10240x64xf32, #tpu.memory_space<vmem_shared>> -> memref<128x64xf32, #tpu.memory_space<vmem_shared>>
      tpu.wait_dma2 semaphore(%run_scoped3A_87 : memref<!tpu.dma_semaphore, #tpu.memory_space<semaphore_mem>>) src(%dma_wait3A_95 : memref<128x64xf32, #tpu.memory_space<vmem_shared>>) dst(%dma_wait3A_93 : memref<128x64xf32, #tpu.memory_space<hbm>>)
      tpu.yield
    }) : () -> ()
    %add3A_79 = arith.constant 384 : i32
    %add3A_80 = arith.addi %mul3A_4, %add3A_79 : i32
    %add3A_81 = arith.constant 384 : i32
    %add3A_82 = arith.addi %mul3A_4, %add3A_81 : i32
    "tpu.region"() ({
      %run_scoped3A_87 = tpu.sem_alloc : memref<!tpu.dma_semaphore, #tpu.memory_space<semaphore_mem>>
      %dma_start3A = arith.constant 0 : i32
      %dma_start3A_88 = tpu.memref_slice %arg10[%arg0, %add3A_82, %dma_start3A] : memref<2x10240x64xf32, #tpu.memory_space<hbm>> -> memref<1x128x64xf32, #tpu.memory_space<hbm>>
      %dma_start3A_89 = tpu.memref_squeeze %dma_start3A_88 : memref<1x128x64xf32, #tpu.memory_space<hbm>> -> memref<128x64xf32, #tpu.memory_space<hbm>>
      %dma_start3A_90 = arith.constant 0 : i32
      %dma_start3A_91 = tpu.memref_slice %arg16[%add3A_80, %dma_start3A_90] : memref<10240x64xf32, #tpu.memory_space<vmem_shared>> -> memref<128x64xf32, #tpu.memory_space<vmem_shared>>
      tpu.enqueue_dma source(%dma_start3A_91 : memref<128x64xf32, #tpu.memory_space<vmem_shared>>) target(%dma_start3A_89 : memref<128x64xf32, #tpu.memory_space<hbm>>) target_semaphore(%run_scoped3A_87 : memref<!tpu.dma_semaphore, #tpu.memory_space<semaphore_mem>>)
      %dma_wait3A = arith.constant 0 : i32
      %dma_wait3A_92 = tpu.memref_slice %arg10[%arg0, %add3A_82, %dma_wait3A] : memref<2x10240x64xf32, #tpu.memory_space<hbm>> -> memref<1x128x64xf32, #tpu.memory_space<hbm>>
      %dma_wait3A_93 = tpu.memref_squeeze %dma_wait3A_92 : memref<1x128x64xf32, #tpu.memory_space<hbm>> -> memref<128x64xf32, #tpu.memory_space<hbm>>
      %dma_wait3A_94 = arith.constant 0 : i32
      %dma_wait3A_95 = tpu.memref_slice %arg16[%add3A_80, %dma_wait3A_94] : memref<10240x64xf32, #tpu.memory_space<vmem_shared>> -> memref<128x64xf32, #tpu.memory_space<vmem_shared>>
      tpu.wait_dma2 semaphore(%run_scoped3A_87 : memref<!tpu.dma_semaphore, #tpu.memory_space<semaphore_mem>>) src(%dma_wait3A_95 : memref<128x64xf32, #tpu.memory_space<vmem_shared>>) dst(%dma_wait3A_93 : memref<128x64xf32, #tpu.memory_space<hbm>>)
      tpu.yield
    }) : () -> ()
    %add3A_83 = arith.constant 512 : i32
    %add3A_84 = arith.addi %mul3A_4, %add3A_83 : i32
    %add3A_85 = arith.constant 512 : i32
    %add3A_86 = arith.addi %mul3A_4, %add3A_85 : i32
    "tpu.region"() ({
      %run_scoped3A_87 = tpu.sem_alloc : memref<!tpu.dma_semaphore, #tpu.memory_space<semaphore_mem>>
      %dma_start3A = arith.constant 0 : i32
      %dma_start3A_88 = tpu.memref_slice %arg10[%arg0, %add3A_86, %dma_start3A] : memref<2x10240x64xf32, #tpu.memory_space<hbm>> -> memref<1x128x64xf32, #tpu.memory_space<hbm>>
      %dma_start3A_89 = tpu.memref_squeeze %dma_start3A_88 : memref<1x128x64xf32, #tpu.memory_space<hbm>> -> memref<128x64xf32, #tpu.memory_space<hbm>>
      %dma_start3A_90 = arith.constant 0 : i32
      %dma_start3A_91 = tpu.memref_slice %arg16[%add3A_84, %dma_start3A_90] : memref<10240x64xf32, #tpu.memory_space<vmem_shared>> -> memref<128x64xf32, #tpu.memory_space<vmem_shared>>
      tpu.enqueue_dma source(%dma_start3A_91 : memref<128x64xf32, #tpu.memory_space<vmem_shared>>) target(%dma_start3A_89 : memref<128x64xf32, #tpu.memory_space<hbm>>) target_semaphore(%run_scoped3A_87 : memref<!tpu.dma_semaphore, #tpu.memory_space<semaphore_mem>>)
      %dma_wait3A = arith.constant 0 : i32
      %dma_wait3A_92 = tpu.memref_slice %arg10[%arg0, %add3A_86, %dma_wait3A] : memref<2x10240x64xf32, #tpu.memory_space<hbm>> -> memref<1x128x64xf32, #tpu.memory_space<hbm>>
      %dma_wait3A_93 = tpu.memref_squeeze %dma_wait3A_92 : memref<1x128x64xf32, #tpu.memory_space<hbm>> -> memref<128x64xf32, #tpu.memory_space<hbm>>
      %dma_wait3A_94 = arith.constant 0 : i32
      %dma_wait3A_95 = tpu.memref_slice %arg16[%add3A_84, %dma_wait3A_94] : memref<10240x64xf32, #tpu.memory_space<vmem_shared>> -> memref<128x64xf32, #tpu.memory_space<vmem_shared>>
      tpu.wait_dma2 semaphore(%run_scoped3A_87 : memref<!tpu.dma_semaphore, #tpu.memory_space<semaphore_mem>>) src(%dma_wait3A_95 : memref<128x64xf32, #tpu.memory_space<vmem_shared>>) dst(%dma_wait3A_93 : memref<128x64xf32, #tpu.memory_space<hbm>>)
      tpu.yield
    }) : () -> ()
    return
  }
}

module attributes {stable_mosaic.version = 14 : i64} {
  func.func @_proj1_body(%arg0: i32, %arg1: memref<400x128xf32, #tpu.memory_space<vmem>>, %arg2: memref<128x128xf32, #tpu.memory_space<vmem>>, %arg3: memref<128x128xf32, #tpu.memory_space<vmem>>, %arg4: memref<1x128xf32, #tpu.memory_space<vmem>>, %arg5: memref<1x128xf32, #tpu.memory_space<vmem>>, %arg6: memref<400x64xf32, #tpu.memory_space<vmem>>, %arg7: memref<400x64xf32, #tpu.memory_space<vmem>>, %arg8: memref<400x128xf32, #tpu.memory_space<vmem>>) attributes {dimension_semantics = [#tpu.dimension_semantics<arbitrary>], iteration_bounds = array<i64: 25>, scalar_prefetch = 0 : i64, scratch_operands = 0 : i64, tpu.core_type = #tpu.core_type<tc>, window_params = [{transform_indices = @transform_0, window_bounds = array<i64: 400, 128>}, {pipeline_mode = #tpu.pipeline_mode<synchronous>, transform_indices = @transform_1, window_bounds = array<i64: 128, 128>}, {pipeline_mode = #tpu.pipeline_mode<synchronous>, transform_indices = @transform_2, window_bounds = array<i64: 128, 128>}, {pipeline_mode = #tpu.pipeline_mode<synchronous>, transform_indices = @transform_3, window_bounds = array<i64: 1, 128>}, {pipeline_mode = #tpu.pipeline_mode<synchronous>, transform_indices = @transform_4, window_bounds = array<i64: 1, 128>}, {transform_indices = @transform_5, window_bounds = array<i64: 400, 64>}, {transform_indices = @transform_6, window_bounds = array<i64: 400, 64>}, {transform_indices = @transform_7, window_bounds = array<i64: 400, 128>}]} {
    %get3A = arith.constant 0 : index
    %get3A_0 = arith.constant 0 : index
    %get3A_1 = vector.load %arg1[%get3A, %get3A_0] : memref<400x128xf32, #tpu.memory_space<vmem>>, vector<400x128xf32>
    %get3A_2 = arith.constant 0 : index
    %get3A_3 = arith.constant 0 : index
    %get3A_4 = vector.load %arg2[%get3A_2, %get3A_3] : memref<128x128xf32, #tpu.memory_space<vmem>>, vector<128x128xf32>
    %dot_general3A = arith.constant dense<0.000000e+00> : vector<400x128xf32>
    %dot_general3A_5 = tpu.matmul %get3A_1, %get3A_4, %dot_general3A {dimension_numbers = #tpu.dot_dimension_numbers<[1], [0], [0], [1], [0, 0, 1, 1], [], []>, transpose_lhs_hint = false} : vector<400x128xf32>, vector<128x128xf32>, vector<400x128xf32> -> vector<400x128xf32>
    %slice3A = vector.extract_strided_slice %dot_general3A_5 {offsets = [0, 0], sizes = [400, 64], strides = [1, 1]} : vector<400x128xf32> to vector<400x64xf32>
    %swap3A = arith.constant 0 : index
    %swap3A_6 = arith.constant 0 : index
    %swap3A_7 = vector.load %arg6[%swap3A, %swap3A_6] : memref<400x64xf32, #tpu.memory_space<vmem>>, vector<400x64xf32>
    tpu.vector_store %arg6[%swap3A, %swap3A_6], %slice3A {strides = array<i32>} : memref<400x64xf32, #tpu.memory_space<vmem>>, vector<400x64xf32>,
    %slice3A_8 = vector.extract_strided_slice %dot_general3A_5 {offsets = [0, 64], sizes = [400, 64], strides = [1, 1]} : vector<400x128xf32> to vector<400x64xf32>
    %swap3A_9 = arith.constant 0 : index
    %swap3A_10 = arith.constant 0 : index
    %swap3A_11 = vector.load %arg7[%swap3A_9, %swap3A_10] : memref<400x64xf32, #tpu.memory_space<vmem>>, vector<400x64xf32>
    tpu.vector_store %arg7[%swap3A_9, %swap3A_10], %slice3A_8 {strides = array<i32>} : memref<400x64xf32, #tpu.memory_space<vmem>>, vector<400x64xf32>,
    %get3A_12 = arith.constant 0 : index
    %get3A_13 = arith.constant 0 : index
    %get3A_14 = vector.load %arg3[%get3A_12, %get3A_13] : memref<128x128xf32, #tpu.memory_space<vmem>>, vector<128x128xf32>
    %dot_general3A_15 = arith.constant dense<0.000000e+00> : vector<400x128xf32>
    %dot_general3A_16 = tpu.matmul %get3A_1, %get3A_14, %dot_general3A_15 {dimension_numbers = #tpu.dot_dimension_numbers<[1], [0], [0], [1], [0, 0, 1, 1], [], []>, transpose_lhs_hint = false} : vector<400x128xf32>, vector<128x128xf32>, vector<400x128xf32> -> vector<400x128xf32>
    %get3A_17 = arith.constant 0 : index
    %get3A_18 = arith.constant 0 : index
    %get3A_19 = vector.load %arg4[%get3A_17, %get3A_18] : memref<1x128xf32, #tpu.memory_space<vmem>>, vector<1x128xf32>
    %add3A = vector.broadcast %get3A_19 : vector<1x128xf32> to vector<400x128xf32>
    %add3A_20 = arith.addf %dot_general3A_16, %add3A : vector<400x128xf32>
    %get3A_21 = arith.constant 0 : index
    %get3A_22 = arith.constant 0 : index
    %get3A_23 = vector.load %arg5[%get3A_21, %get3A_22] : memref<1x128xf32, #tpu.memory_space<vmem>>, vector<1x128xf32>
    %add3A_24 = vector.broadcast %get3A_23 : vector<1x128xf32> to vector<400x128xf32>
    %add3A_25 = arith.addf %add3A_20, %add3A_24 : vector<400x128xf32>
    %swap3A_26 = arith.constant 0 : index
    %swap3A_27 = arith.constant 0 : index
    %swap3A_28 = vector.load %arg8[%swap3A_26, %swap3A_27] : memref<400x128xf32, #tpu.memory_space<vmem>>, vector<400x128xf32>
    tpu.vector_store %arg8[%swap3A_26, %swap3A_27], %add3A_25 {strides = array<i32>} : memref<400x128xf32, #tpu.memory_space<vmem>>, vector<400x128xf32>,
    return
  }
  func.func @transform_0(%arg0: i32) -> (i32, i32) {
    %c0_i32 = arith.constant 0 : i32
    %c0_i32_0 = arith.constant 0 : i32
    return %arg0, %c0_i32 : i32, i32
  }
  func.func @transform_1(%arg0: i32) -> (i32, i32) {
    %c0_i32 = arith.constant 0 : i32
    %c0_i32_0 = arith.constant 0 : i32
    %c0_i32_1 = arith.constant 0 : i32
    return %c0_i32, %c0_i32_0 : i32, i32
  }
  func.func @transform_2(%arg0: i32) -> (i32, i32) {
    %c0_i32 = arith.constant 0 : i32
    %c0_i32_0 = arith.constant 0 : i32
    %c0_i32_1 = arith.constant 0 : i32
    return %c0_i32, %c0_i32_0 : i32, i32
  }
  func.func @transform_3(%arg0: i32) -> (i32, i32) {
    %c0_i32 = arith.constant 0 : i32
    %c0_i32_0 = arith.constant 0 : i32
    %c0_i32_1 = arith.constant 0 : i32
    return %c0_i32, %c0_i32_0 : i32, i32
  }
  func.func @transform_4(%arg0: i32) -> (i32, i32) {
    %c0_i32 = arith.constant 0 : i32
    %c0_i32_0 = arith.constant 0 : i32
    %c0_i32_1 = arith.constant 0 : i32
    return %c0_i32, %c0_i32_0 : i32, i32
  }
  func.func @transform_5(%arg0: i32) -> (i32, i32) {
    %c0_i32 = arith.constant 0 : i32
    %c0_i32_0 = arith.constant 0 : i32
    return %arg0, %c0_i32 : i32, i32
  }
  func.func @transform_6(%arg0: i32) -> (i32, i32) {
    %c0_i32 = arith.constant 0 : i32
    %c0_i32_0 = arith.constant 0 : i32
    return %arg0, %c0_i32 : i32, i32
  }
  func.func @transform_7(%arg0: i32) -> (i32, i32) {
    %c0_i32 = arith.constant 0 : i32
    %c0_i32_0 = arith.constant 0 : i32
    return %arg0, %c0_i32 : i32, i32
  }
}

module attributes {stable_mosaic.version = 14 : i64} {
  func.func @_layer1_body(%arg0: i32, %arg1: memref<400x64xf32, #tpu.memory_space<vmem>>, %arg2: memref<400x64xf32, #tpu.memory_space<vmem>>, %arg3: memref<400x64xf32, #tpu.memory_space<vmem>>, %arg4: memref<400x64xf32, #tpu.memory_space<vmem>>, %arg5: memref<400x1xf32, #tpu.memory_space<vmem>>, %arg6: memref<400x1xf32, #tpu.memory_space<vmem>>, %arg7: memref<400x128xf32, #tpu.memory_space<vmem>>, %arg8: memref<128x128xf32, #tpu.memory_space<vmem>>, %arg9: memref<128x128xf32, #tpu.memory_space<vmem>>, %arg10: memref<128x64xf32, #tpu.memory_space<vmem>>, %arg11: memref<1x128xf32, #tpu.memory_space<vmem>>, %arg12: memref<1x128xf32, #tpu.memory_space<vmem>>, %arg13: memref<1x64xf32, #tpu.memory_space<vmem>>, %arg14: memref<400x64xf32, #tpu.memory_space<vmem>>, %arg15: memref<400x64xf32, #tpu.memory_space<vmem>>) attributes {dimension_semantics = [#tpu.dimension_semantics<arbitrary>], iteration_bounds = array<i64: 25>, scalar_prefetch = 0 : i64, scratch_operands = 0 : i64, tpu.core_type = #tpu.core_type<tc>, window_params = [{transform_indices = @transform_0, window_bounds = array<i64: 400, 64>}, {transform_indices = @transform_1, window_bounds = array<i64: 400, 64>}, {transform_indices = @transform_2, window_bounds = array<i64: 400, 64>}, {transform_indices = @transform_3, window_bounds = array<i64: 400, 64>}, {transform_indices = @transform_4, window_bounds = array<i64: 400, 1>}, {transform_indices = @transform_5, window_bounds = array<i64: 400, 1>}, {transform_indices = @transform_6, window_bounds = array<i64: 400, 128>}, {pipeline_mode = #tpu.pipeline_mode<synchronous>, transform_indices = @transform_7, window_bounds = array<i64: 128, 128>}, {pipeline_mode = #tpu.pipeline_mode<synchronous>, transform_indices = @transform_8, window_bounds = array<i64: 128, 128>}, {pipeline_mode = #tpu.pipeline_mode<synchronous>, transform_indices = @transform_9, window_bounds = array<i64: 128, 64>}, {pipeline_mode = #tpu.pipeline_mode<synchronous>, transform_indices = @transform_10, window_bounds = array<i64: 1, 128>}, {pipeline_mode = #tpu.pipeline_mode<synchronous>, transform_indices = @transform_11, window_bounds = array<i64: 1, 128>}, {pipeline_mode = #tpu.pipeline_mode<synchronous>, transform_indices = @transform_12, window_bounds = array<i64: 1, 64>}, {transform_indices = @transform_13, window_bounds = array<i64: 400, 64>}, {transform_indices = @transform_14, window_bounds = array<i64: 400, 64>}]} {
    %get3A = arith.constant 0 : index
    %get3A_0 = arith.constant 0 : index
    %get3A_1 = vector.load %arg5[%get3A, %get3A_0] : memref<400x1xf32, #tpu.memory_space<vmem>>, vector<400x1xf32>
    %get3A_2 = arith.constant 0 : index
    %get3A_3 = arith.constant 0 : index
    %get3A_4 = vector.load %arg6[%get3A_2, %get3A_3] : memref<400x1xf32, #tpu.memory_space<vmem>>, vector<400x1xf32>
    %add3A = arith.addf %get3A_1, %get3A_4 : vector<400x1xf32>
    %max3A = arith.constant 1.000000e+00 : f32
    %max3A_5 = vector.broadcast %max3A : f32 to vector<400x1xf32>
    %max3A_6 = arith.maximumf %add3A, %max3A_5 : vector<400x1xf32>
    %div3A = arith.constant 1.000000e+00 : f32
    %div3A_7 = vector.broadcast %div3A : f32 to vector<400x1xf32>
    %div3A_8 = arith.divf %div3A_7, %max3A_6 : vector<400x1xf32>
    %get3A_9 = arith.constant 0 : index
    %get3A_10 = arith.constant 0 : index
    %get3A_11 = vector.load %arg1[%get3A_9, %get3A_10] : memref<400x64xf32, #tpu.memory_space<vmem>>, vector<400x64xf32>
    %get3A_12 = arith.constant 0 : index
    %get3A_13 = arith.constant 0 : index
    %get3A_14 = vector.load %arg2[%get3A_12, %get3A_13] : memref<400x64xf32, #tpu.memory_space<vmem>>, vector<400x64xf32>
    %add3A_15 = arith.addf %get3A_11, %get3A_14 : vector<400x64xf32>
    %mul3A = vector.broadcast %div3A_8 : vector<400x1xf32> to vector<400x64xf32>
    %mul3A_16 = arith.mulf %add3A_15, %mul3A : vector<400x64xf32>
    %get3A_17 = arith.constant 0 : index
    %get3A_18 = arith.constant 0 : index
    %get3A_19 = vector.load %arg3[%get3A_17, %get3A_18] : memref<400x64xf32, #tpu.memory_space<vmem>>, vector<400x64xf32>
    %get3A_20 = arith.constant 0 : index
    %get3A_21 = arith.constant 0 : index
    %get3A_22 = vector.load %arg4[%get3A_20, %get3A_21] : memref<400x64xf32, #tpu.memory_space<vmem>>, vector<400x64xf32>
    %add3A_23 = arith.addf %get3A_19, %get3A_22 : vector<400x64xf32>
    %mul3A_24 = vector.broadcast %div3A_8 : vector<400x1xf32> to vector<400x64xf32>
    %mul3A_25 = arith.mulf %add3A_23, %mul3A_24 : vector<400x64xf32>
    %concatenate3A = tpu.concatenate %mul3A_16, %mul3A_25 in 1 : vector<400x64xf32>, vector<400x64xf32> -> vector<400x128xf32>
    %get3A_26 = arith.constant 0 : index
    %get3A_27 = arith.constant 0 : index
    %get3A_28 = vector.load %arg7[%get3A_26, %get3A_27] : memref<400x128xf32, #tpu.memory_space<vmem>>, vector<400x128xf32>
    %add3A_29 = arith.addf %concatenate3A, %get3A_28 : vector<400x128xf32>
    %max3A_30 = arith.constant 0.000000e+00 : f32
    %max3A_31 = vector.broadcast %max3A_30 : f32 to vector<400x128xf32>
    %max3A_32 = arith.maximumf %add3A_29, %max3A_31 : vector<400x128xf32>
    %get3A_33 = arith.constant 0 : index
    %get3A_34 = arith.constant 0 : index
    %get3A_35 = vector.load %arg10[%get3A_33, %get3A_34] : memref<128x64xf32, #tpu.memory_space<vmem>>, vector<128x64xf32>
    %get3A_36 = arith.constant 0 : index
    %get3A_37 = arith.constant 0 : index
    %get3A_38 = vector.load %arg8[%get3A_36, %get3A_37] : memref<128x128xf32, #tpu.memory_space<vmem>>, vector<128x128xf32>
    %dot_general3A = arith.constant dense<0.000000e+00> : vector<128x64xf32>
    %dot_general3A_39 = tpu.matmul %get3A_38, %get3A_35, %dot_general3A {dimension_numbers = #tpu.dot_dimension_numbers<[1], [0], [0], [1], [0, 0, 1, 1], [], []>, transpose_lhs_hint = false} : vector<128x128xf32>, vector<128x64xf32>, vector<128x64xf32> -> vector<128x64xf32>
    %get3A_40 = arith.constant 0 : index
    %get3A_41 = arith.constant 0 : index
    %get3A_42 = vector.load %arg9[%get3A_40, %get3A_41] : memref<128x128xf32, #tpu.memory_space<vmem>>, vector<128x128xf32>
    %dot_general3A_43 = arith.constant dense<0.000000e+00> : vector<128x64xf32>
    %dot_general3A_44 = tpu.matmul %get3A_42, %get3A_35, %dot_general3A_43 {dimension_numbers = #tpu.dot_dimension_numbers<[1], [0], [0], [1], [0, 0, 1, 1], [], []>, transpose_lhs_hint = false} : vector<128x128xf32>, vector<128x64xf32>, vector<128x64xf32> -> vector<128x64xf32>
    %get3A_45 = arith.constant 0 : index
    %get3A_46 = arith.constant 0 : index
    %get3A_47 = vector.load %arg11[%get3A_45, %get3A_46] : memref<1x128xf32, #tpu.memory_space<vmem>>, vector<1x128xf32>
    %get3A_48 = arith.constant 0 : index
    %get3A_49 = arith.constant 0 : index
    %get3A_50 = vector.load %arg12[%get3A_48, %get3A_49] : memref<1x128xf32, #tpu.memory_space<vmem>>, vector<1x128xf32>
    %add3A_51 = arith.addf %get3A_47, %get3A_50 : vector<1x128xf32>
    %dot_general3A_52 = arith.constant dense<0.000000e+00> : vector<1x64xf32>
    %dot_general3A_53 = tpu.matmul %add3A_51, %get3A_35, %dot_general3A_52 {dimension_numbers = #tpu.dot_dimension_numbers<[1], [0], [0], [1], [0, 0, 1, 1], [], []>, transpose_lhs_hint = false} : vector<1x128xf32>, vector<128x64xf32>, vector<1x64xf32> -> vector<1x64xf32>
    %get3A_54 = arith.constant 0 : index
    %get3A_55 = arith.constant 0 : index
    %get3A_56 = vector.load %arg13[%get3A_54, %get3A_55] : memref<1x64xf32, #tpu.memory_space<vmem>>, vector<1x64xf32>
    %add3A_57 = arith.addf %dot_general3A_53, %get3A_56 : vector<1x64xf32>
    %dot_general3A_58 = arith.constant dense<0.000000e+00> : vector<400x64xf32>
    %dot_general3A_59 = tpu.matmul %max3A_32, %dot_general3A_39, %dot_general3A_58 {dimension_numbers = #tpu.dot_dimension_numbers<[1], [0], [0], [1], [0, 0, 1, 1], [], []>, transpose_lhs_hint = false} : vector<400x128xf32>, vector<128x64xf32>, vector<400x64xf32> -> vector<400x64xf32>
    %swap3A = arith.constant 0 : index
    %swap3A_60 = arith.constant 0 : index
    %swap3A_61 = vector.load %arg14[%swap3A, %swap3A_60] : memref<400x64xf32, #tpu.memory_space<vmem>>, vector<400x64xf32>
    tpu.vector_store %arg14[%swap3A, %swap3A_60], %dot_general3A_59 {strides = array<i32>} : memref<400x64xf32, #tpu.memory_space<vmem>>, vector<400x64xf32>,
    %dot_general3A_62 = arith.constant dense<0.000000e+00> : vector<400x64xf32>
    %dot_general3A_63 = tpu.matmul %max3A_32, %dot_general3A_44, %dot_general3A_62 {dimension_numbers = #tpu.dot_dimension_numbers<[1], [0], [0], [1], [0, 0, 1, 1], [], []>, transpose_lhs_hint = false} : vector<400x128xf32>, vector<128x64xf32>, vector<400x64xf32> -> vector<400x64xf32>
    %add3A_64 = vector.broadcast %add3A_57 : vector<1x64xf32> to vector<400x64xf32>
    %add3A_65 = arith.addf %dot_general3A_63, %add3A_64 : vector<400x64xf32>
    %swap3A_66 = arith.constant 0 : index
    %swap3A_67 = arith.constant 0 : index
    %swap3A_68 = vector.load %arg15[%swap3A_66, %swap3A_67] : memref<400x64xf32, #tpu.memory_space<vmem>>, vector<400x64xf32>
    tpu.vector_store %arg15[%swap3A_66, %swap3A_67], %add3A_65 {strides = array<i32>} : memref<400x64xf32, #tpu.memory_space<vmem>>, vector<400x64xf32>,
    return
  }
  func.func @transform_0(%arg0: i32) -> (i32, i32) {
    %c0_i32 = arith.constant 0 : i32
    %c0_i32_0 = arith.constant 0 : i32
    return %arg0, %c0_i32 : i32, i32
  }
  func.func @transform_1(%arg0: i32) -> (i32, i32) {
    %c0_i32 = arith.constant 0 : i32
    %c0_i32_0 = arith.constant 0 : i32
    return %arg0, %c0_i32 : i32, i32
  }
  func.func @transform_2(%arg0: i32) -> (i32, i32) {
    %c0_i32 = arith.constant 0 : i32
    %c0_i32_0 = arith.constant 0 : i32
    return %arg0, %c0_i32 : i32, i32
  }
  func.func @transform_3(%arg0: i32) -> (i32, i32) {
    %c0_i32 = arith.constant 0 : i32
    %c0_i32_0 = arith.constant 0 : i32
    return %arg0, %c0_i32 : i32, i32
  }
  func.func @transform_4(%arg0: i32) -> (i32, i32) {
    %c0_i32 = arith.constant 0 : i32
    %c0_i32_0 = arith.constant 0 : i32
    return %arg0, %c0_i32 : i32, i32
  }
  func.func @transform_5(%arg0: i32) -> (i32, i32) {
    %c0_i32 = arith.constant 0 : i32
    %c0_i32_0 = arith.constant 0 : i32
    return %arg0, %c0_i32 : i32, i32
  }
  func.func @transform_6(%arg0: i32) -> (i32, i32) {
    %c0_i32 = arith.constant 0 : i32
    %c0_i32_0 = arith.constant 0 : i32
    return %arg0, %c0_i32 : i32, i32
  }
  func.func @transform_7(%arg0: i32) -> (i32, i32) {
    %c0_i32 = arith.constant 0 : i32
    %c0_i32_0 = arith.constant 0 : i32
    %c0_i32_1 = arith.constant 0 : i32
    return %c0_i32, %c0_i32_0 : i32, i32
  }
  func.func @transform_8(%arg0: i32) -> (i32, i32) {
    %c0_i32 = arith.constant 0 : i32
    %c0_i32_0 = arith.constant 0 : i32
    %c0_i32_1 = arith.constant 0 : i32
    return %c0_i32, %c0_i32_0 : i32, i32
  }
  func.func @transform_9(%arg0: i32) -> (i32, i32) {
    %c0_i32 = arith.constant 0 : i32
    %c0_i32_0 = arith.constant 0 : i32
    %c0_i32_1 = arith.constant 0 : i32
    return %c0_i32, %c0_i32_0 : i32, i32
  }
  func.func @transform_10(%arg0: i32) -> (i32, i32) {
    %c0_i32 = arith.constant 0 : i32
    %c0_i32_0 = arith.constant 0 : i32
    %c0_i32_1 = arith.constant 0 : i32
    return %c0_i32, %c0_i32_0 : i32, i32
  }
  func.func @transform_11(%arg0: i32) -> (i32, i32) {
    %c0_i32 = arith.constant 0 : i32
    %c0_i32_0 = arith.constant 0 : i32
    %c0_i32_1 = arith.constant 0 : i32
    return %c0_i32, %c0_i32_0 : i32, i32
  }
  func.func @transform_12(%arg0: i32) -> (i32, i32) {
    %c0_i32 = arith.constant 0 : i32
    %c0_i32_0 = arith.constant 0 : i32
    %c0_i32_1 = arith.constant 0 : i32
    return %c0_i32, %c0_i32_0 : i32, i32
  }
  func.func @transform_13(%arg0: i32) -> (i32, i32) {
    %c0_i32 = arith.constant 0 : i32
    %c0_i32_0 = arith.constant 0 : i32
    return %arg0, %c0_i32 : i32, i32
  }
  func.func @transform_14(%arg0: i32) -> (i32, i32) {
    %c0_i32 = arith.constant 0 : i32
    %c0_i32_0 = arith.constant 0 : i32
    return %arg0, %c0_i32 : i32, i32
  }
}

module attributes {stable_mosaic.version = 14 : i64} {
  func.func @_final_body(%arg0: i32, %arg1: memref<400x64xf32, #tpu.memory_space<vmem>>, %arg2: memref<400x64xf32, #tpu.memory_space<vmem>>, %arg3: memref<400x1xf32, #tpu.memory_space<vmem>>, %arg4: memref<400x1xf32, #tpu.memory_space<vmem>>, %arg5: memref<400x64xf32, #tpu.memory_space<vmem>>, %arg6: memref<400x64xf32, #tpu.memory_space<vmem>>) attributes {dimension_semantics = [#tpu.dimension_semantics<arbitrary>], iteration_bounds = array<i64: 25>, scalar_prefetch = 0 : i64, scratch_operands = 0 : i64, tpu.core_type = #tpu.core_type<tc>, window_params = [{transform_indices = @transform_0, window_bounds = array<i64: 400, 64>}, {transform_indices = @transform_1, window_bounds = array<i64: 400, 64>}, {transform_indices = @transform_2, window_bounds = array<i64: 400, 1>}, {transform_indices = @transform_3, window_bounds = array<i64: 400, 1>}, {transform_indices = @transform_4, window_bounds = array<i64: 400, 64>}, {transform_indices = @transform_5, window_bounds = array<i64: 400, 64>}]} {
    %get3A = arith.constant 0 : index
    %get3A_0 = arith.constant 0 : index
    %get3A_1 = vector.load %arg3[%get3A, %get3A_0] : memref<400x1xf32, #tpu.memory_space<vmem>>, vector<400x1xf32>
    %get3A_2 = arith.constant 0 : index
    %get3A_3 = arith.constant 0 : index
    %get3A_4 = vector.load %arg4[%get3A_2, %get3A_3] : memref<400x1xf32, #tpu.memory_space<vmem>>, vector<400x1xf32>
    %add3A = arith.addf %get3A_1, %get3A_4 : vector<400x1xf32>
    %max3A = arith.constant 1.000000e+00 : f32
    %max3A_5 = vector.broadcast %max3A : f32 to vector<400x1xf32>
    %max3A_6 = arith.maximumf %add3A, %max3A_5 : vector<400x1xf32>
    %div3A = arith.constant 1.000000e+00 : f32
    %div3A_7 = vector.broadcast %div3A : f32 to vector<400x1xf32>
    %div3A_8 = arith.divf %div3A_7, %max3A_6 : vector<400x1xf32>
    %get3A_9 = arith.constant 0 : index
    %get3A_10 = arith.constant 0 : index
    %get3A_11 = vector.load %arg1[%get3A_9, %get3A_10] : memref<400x64xf32, #tpu.memory_space<vmem>>, vector<400x64xf32>
    %get3A_12 = arith.constant 0 : index
    %get3A_13 = arith.constant 0 : index
    %get3A_14 = vector.load %arg2[%get3A_12, %get3A_13] : memref<400x64xf32, #tpu.memory_space<vmem>>, vector<400x64xf32>
    %add3A_15 = arith.addf %get3A_11, %get3A_14 : vector<400x64xf32>
    %mul3A = vector.broadcast %div3A_8 : vector<400x1xf32> to vector<400x64xf32>
    %mul3A_16 = arith.mulf %add3A_15, %mul3A : vector<400x64xf32>
    %get3A_17 = arith.constant 0 : index
    %get3A_18 = arith.constant 0 : index
    %get3A_19 = vector.load %arg5[%get3A_17, %get3A_18] : memref<400x64xf32, #tpu.memory_space<vmem>>, vector<400x64xf32>
    %add3A_20 = arith.addf %mul3A_16, %get3A_19 : vector<400x64xf32>
    %swap3A = arith.constant 0 : index
    %swap3A_21 = arith.constant 0 : index
    %swap3A_22 = vector.load %arg6[%swap3A, %swap3A_21] : memref<400x64xf32, #tpu.memory_space<vmem>>, vector<400x64xf32>
    tpu.vector_store %arg6[%swap3A, %swap3A_21], %add3A_20 {strides = array<i32>} : memref<400x64xf32, #tpu.memory_space<vmem>>, vector<400x64xf32>,
    return
  }
  func.func @transform_0(%arg0: i32) -> (i32, i32) {
    %c0_i32 = arith.constant 0 : i32
    %c0_i32_0 = arith.constant 0 : i32
    return %arg0, %c0_i32 : i32, i32
  }
  func.func @transform_1(%arg0: i32) -> (i32, i32) {
    %c0_i32 = arith.constant 0 : i32
    %c0_i32_0 = arith.constant 0 : i32
    return %arg0, %c0_i32 : i32, i32
  }
  func.func @transform_2(%arg0: i32) -> (i32, i32) {
    %c0_i32 = arith.constant 0 : i32
    %c0_i32_0 = arith.constant 0 : i32
    return %arg0, %c0_i32 : i32, i32
  }
  func.func @transform_3(%arg0: i32) -> (i32, i32) {
    %c0_i32 = arith.constant 0 : i32
    %c0_i32_0 = arith.constant 0 : i32
    return %arg0, %c0_i32 : i32, i32
  }
  func.func @transform_4(%arg0: i32) -> (i32, i32) {
    %c0_i32 = arith.constant 0 : i32
    %c0_i32_0 = arith.constant 0 : i32
    return %arg0, %c0_i32 : i32, i32
  }
  func.func @transform_5(%arg0: i32) -> (i32, i32) {
    %c0_i32 = arith.constant 0 : i32
    %c0_i32_0 = arith.constant 0 : i32
    return %arg0, %c0_i32 : i32, i32
  }
}

</mosaic_0001>

<sc_bundles>
// kernel: kernel.10.cloned.1.call-start
scs
__scs_entry_jumppad:
0x0: {  	(pc) =	sbr.rel $0x88, $3  }
0x1: {  	(tag) =	ssettag $0x0;
	lr =	simm.s32 $0x1  }
0x2: {  	[smem:$0x3F99] =	sst lr;
	_ =	strace $0xD0000000  }
0x3: {  	_ = 	snop  }
0x4: {  	_ = 	snop  }
0x5: {  	_ = 	snop  }
0x6: {  	_ = 	snop  }
0x7: {  	_ = 	snop  }
__scs_overlays_trampoline_lowered:
0x8: {  	[smem:$0x3FA8] =	sst s0  }
0x9: {  	[smem:$0x3FA9] =	sst s1  }
0xa: {  	[smem:$0x3FAA] =	sst s2  }
0xb: {  	[smem:$0x3FAB] =	sst s3  }
0xc: {  	[smem:$0x3FAC] =	sst s4  }
0xd: {  	[smem:$0x3FAD] =	sst s5  }
0xe: {  	[smem:$0x3FAE] =	sst s6  }
0xf: {  	[smem:$0x3FAF] =	sst s7  }
0x10: {  	[smem:$0x3FB0] =	sst s8  }
0x11: {  	[smem:$0x3FB1] =	sst s9;
	s0 =	simm.s32 @!p0 $0x0  }
0x12: {  	s1 =	sld [smem:$0x3F97];
	s0 =	simm.s32 @p0 $0x1  }
0x13: {  	[smem:$0x3FB2] =	sst s0;
	s0 =	simm.s32 @!p1 $0x0  }
0x14: {  	s2 =	sld [smem:$0x3F96];
	s0 =	simm.s32 @p1 $0x1  }
0x15: {  	[smem:$0x3FB3] =	sst s0;
	s0 =	simm.s32 @!p2 $0x0  }
0x16: {  	s3 =	sld [smem:$0x3FDB];
	s0 =	simm.s32 @p2 $0x1  }
0x17: {  	s4 =	simm.s32 $0x1BF5;
	[smem:$0x3FB5] =	sst s0  }
0x18: {  	s0 =	sld [smem:$0x3F98];
	_ =	swait.ge [sflag:s4], $0x0  }
0x19: {  	s7 =	sld [smem:$0x3F99]  }
0x1a: {  	s8 =	sadd.s32 $0xFFFFE003, lr  }
0x1b: {  	s9 =	sadd.s32 $0xFFFFFEF7, lr;
	s5 =	simm.s32 $0xFFFFFFFF;
	p2 =	slt.u32 s8, $0xFFFFF086  }
0x1c: {  	p1 =	slt.u32 s9, $0xF7A;
	s5 =	simm.s32 @!p2 $0x0  }
0x1d: {  	s5 =	simm.s32 @p1 $0x1;
	p0 =	seq.s32 s7, s2  }
0x1e: {  	s7 =	smul.u32 @!p0 $0xF7A, s2;
	p2 =	seq.s32 @!p0 s5, $0x0  }
0x1f: {  	s9 =	smul.u32 $0xF7A, s1;
	s8 =	simm.s32 @!p0 $0x1BF5;
	p2 =	por !p2, p0  }
0x20: {  	[sflag:s8] =	ssyncset.s32 @!p0 $0xFFFFF086;
	s6 =	sadd.s32 @!p0 s3, s7;
	s7 =	simm.s32 @!p0 $0x108  }
0x21: {  	s3 =	sadd.s32 s3, s9;
	s6 =	sadd.s32 @!p0 $0x88, s6;
	s7 =	simm.s32 @p2 $0x1082  }
0x22: {  	[simem:s7], [sflag:s8] =	dma.local @!p0 [hbm:s6], $0xF7A  }
0x23: {  	s9 =	sor.u32 $0xD0000000, s2;
	s6 =	simm.s32 $0x108;
	_ =	swait.ge @!p0 [sflag:s8], $0x0  }
0x24: {  	s3 =	sadd.s32 $0x88, s3;
	s6 =	simm.s32 @!p1 $0x1082;
	[sflag:s4] =	ssyncset.s32 $0xFFFFF086  }
0x25: {  	[simem:s6], [sflag:s4] =	dma.local [hbm:s3], $0xF7A  }
0x26: {  	[smem:$0x3F99] =	sst s1;
	(tag) =	ssettag s2;
	_ =	strace s9  }
0x27: {  	s1 =	sld [smem:$0x3FA9]  }
0x28: {  	s2 =	sld [smem:$0x3FAA]  }
0x29: {  	s4 =	sld [smem:$0x3FAC]  }
0x2a: {  	p0 =	seq.s32 s5, $0x0;
	s5 =	sld [smem:$0x3FAD]  }
0x2b: {  	s6 =	sld [smem:$0x3FAE]  }
0x2c: {  	s7 =	sld [smem:$0x3FAF]  }
0x2d: {  	s3 =	simm.s32 $0x108;
	s8 =	sld [smem:$0x3FB0]  }
0x2e: {  	s3 =	simm.s32 @!p0 $0x1082;
	s9 =	sld [smem:$0x3FB1]  }
0x2f: {  	lr =	sadd.s32 s0, s3;
	s0 =	sld [smem:$0x3FA8]  }
0x30: {  	s3 =	sld [smem:$0x3FAB]  }
0x31: {  	[smem:$0x3FB4] =	sst s10  }
0x32: {  	s10 =	sld [smem:$0x3FB2];
	_ =	sdelay $0x3  }
0x33: {  	p0 =	seq.s32 s10, $0x1;
	s10 =	sld [smem:$0x3FB4];
	_ =	sdelay $0x3  }
0x34: {  	[smem:$0x3FB4] =	sst s10  }
0x35: {  	s10 =	sld [smem:$0x3FB3];
	_ =	sdelay $0x3  }
0x36: {  	p1 =	seq.s32 s10, $0x1;
	s10 =	sld [smem:$0x3FB4];
	_ =	sdelay $0x3  }
0x37: {  	[smem:$0x3FB4] =	sst s10  }
0x38: {  	s10 =	sld [smem:$0x3FB5]  }
0x39: {  	_ = 	snop;
	(pc) =	sbr.ind lr, $3  }
0x3a: {  	_ = 	snop  }
0x3b: {  	_ = 	snop  }
0x3c: {  	p2 =	seq.s32 s10, $0x1;
	s10 =	sld [smem:$0x3FB4]  }
0x3d: {  	_ =	shalt  }
0x3e: {  	_ =	shalt  }
0x3f: {  	_ =	shalt  }
0x40: {  	_ =	shalt  }
0x41: {  	_ =	shalt  }
0x42: {  	_ =	shalt  }
0x43: {  	_ =	shalt  }
0x44: {  	_ =	shalt  }
0x45: {  	_ =	shalt  }
0x46: {  	_ =	shalt  }
0x47: {  	_ =	shalt  }
0x48: {  	_ =	shalt  }
0x49: {  	_ =	shalt  }
0x4a: {  	_ =	shalt  }
0x4b: {  	_ =	shalt  }
0x4c: {  	_ =	shalt  }
0x4d: {  	_ =	shalt  }
0x4e: {  	_ =	shalt  }
0x4f: {  	_ =	shalt  }
0x50: {  	_ =	shalt  }
0x51: {  	_ =	shalt  }
0x52: {  	_ =	shalt  }
0x53: {  	_ =	shalt  }
0x54: {  	_ =	shalt  }
0x55: {  	_ =	shalt  }
0x56: {  	_ =	shalt  }
0x57: {  	_ =	shalt  }
0x58: {  	_ =	shalt  }
0x59: {  	_ =	shalt  }
0x5a: {  	_ =	shalt  }
0x5b: {  	_ =	shalt  }
0x5c: {  	_ =	shalt  }
0x5d: {  	_ =	shalt  }
0x5e: {  	_ =	shalt  }
0x5f: {  	_ =	shalt  }
0x60: {  	_ =	shalt  }
0x61: {  	_ =	shalt  }
0x62: {  	_ =	shalt  }
0x63: {  	_ =	shalt  }
0x64: {  	_ =	shalt  }
0x65: {  	_ =	shalt  }
0x66: {  	_ =	shalt  }
0x67: {  	_ =	shalt  }
0x68: {  	_ =	shalt  }
0x69: {  	_ =	shalt  }
0x6a: {  	_ =	shalt  }
0x6b: {  	_ =	shalt  }
0x6c: {  	_ =	shalt  }
0x6d: {  	_ =	shalt  }
0x6e: {  	_ =	shalt  }
0x6f: {  	_ =	shalt  }
0x70: {  	_ =	shalt  }
0x71: {  	_ =	shalt  }
0x72: {  	_ =	shalt  }
0x73: {  	_ =	shalt  }
0x74: {  	_ =	shalt  }
0x75: {  	_ =	shalt  }
0x76: {  	_ =	shalt  }
0x77: {  	_ =	shalt  }
0x78: {  	_ =	shalt  }
0x79: {  	_ =	shalt  }
0x7a: {  	_ =	shalt  }
0x7b: {  	_ =	shalt  }
0x7c: {  	_ =	shalt  }
0x7d: {  	_ =	shalt  }
0x7e: {  	_ =	shalt  }
0x7f: {  	_ =	shalt  }
0x80: {  	_ =	shalt  }
0x81: {  	_ =	shalt  }
0x82: {  	_ =	shalt  }
0x83: {  	_ =	shalt  }
0x84: {  	_ =	shalt  }
0x85: {  	_ =	shalt  }
0x86: {  	_ =	shalt  }
0x87: {  	_ =	shalt  }
.Lfunc_end0:
.L_simem_size_0:
called_computation.1_lowered:
.L_overlay_start_0:
0x88: {  	s2 =	sld [smem:$0x3FD9]  }
0x89: {  	s3 =	sld [smem:$0x3FFE];
	_ =	sdelay $0x1  }
0x8a: {  	s1 =	srdreg.scid  }
0x8b: {  	s0 =	sand.u32 $0x1, s1  }
0x8c: {  	s17 =	sshll.u32 s0, $0xA;
	s2 =	sadd.s32 s3, s2  }
0x8d: {  	s2 =	sadd.s32 s2, s17  }
0x8e: {  	[smem:$0x3FC0] =	sst s2  }
0x8f: {  	_ = 	snop  }
0x90: {  	s2 =	sld [smem:$0x3FD0];
	(tm) =	ssettm $0x1  }
0x91: {  	s18 =	sld [smem:$0x3FFB];
	_ =	sdelay $0x3  }
0x92: {  	_ =	strace s18  }
0x93: {  	s3 =	sld [smem:$0x3FFC];
	_ =	sdelay $0x3  }
0x94: {  	_ =	strace s3  }
0x95: {  	s3 =	sld [smem:$0x3FFD];
	_ =	sdelay $0x3  }
0x96: {  	_ =	strace s3  }
0x97: {  	_ =	strace $0x8FFFFFFF  }
0x98: {  	s19 =	sld [smem:$0x3FDB];
	_ =	sdelay $0x1  }
0x99: {  	s4 =	simm.s32 $_scs_section_size  }
0x9a: {  	s5 =	simm.s32 $_size__tile_overlayer_lowered;
	s6 =	simm.s32 $_tile_overlayer_lowered  }
0x9b: {  	s22 =	simm.s32 $0x1BFF;
	s21 =	sshll.u32 s6, $0x1;
	s3 =	sadd.s32 s4, s19  }
0x9c: {  	s7 =	simm.s32 $0x0;
	s20 =	sshll.u32 s5, $0x1;
	s5 =	sadd.s32 s21, s3  }
0x9d: {  	[timem:s7], [sflag:s22] =	dma.local [hbm:s5], s20  }
0x9e: {  	_ =	swait.ge [sflag:s22], s20  }
0x9f: {  	s4 =	ssub.s32 $0x0, s20;
	[sflag:s22] =	ssyncset.done $0x0  }
0xa0: {  	[sflag:s22] =	ssyncadd.s32 s4;
	_ =	sdelay $0x1  }
0xa1: {  	s23 =	simm.s32 $0x1B8B  }
0xa2: {  	_ =	swait.ge [sflag:s23], $0x1  }
0xa3: {  	[sflag:s23] =	ssyncset.done $0x0  }
0xa4: {  	s25 =	simm.s32 $0x1B8E;
	s24 =	sld [smem:$0x3FFE];
	[sflag:s23] =	ssyncadd.s32 $0xFFFFFFFF  }
0xa5: {  	s26 =	simm.s32 $execute0_lowered;
	[smem:$0x3FD2] =	sst s25  }
0xa6: {  	s5 =	sshll.u32 s26, $0x1;
	_ =	strace $0x80000049;
	[dreg:$0x1] =	wrdreg $0xFFFFFFFF  }
0xa7: {  	s28 =	simm.s32 $_size_execute0_lowered;
	s3 =	sadd.s32 s3, s5;
	[dreg:$0x0] =	wrdreg $0x0  }
0xa8: {  	s5 =	sshll.u32 s28, $0x1;
	[dreg:$0x2] =	wrdreg s3  }
0xa9: {  	[dreg:$0x3] =	wrdreg s5  }
0xaa: {  	[dreg:$0x4] =	wrdreg $0xC0  }
0xab: {  	_ =	task [dreg:s7], $0x5FFFF  }
0xac: {  	[dreg:$0x1] =	wrdreg $0xFFFFFFFF  }
0xad: {  	[dreg:$0x0] =	wrdreg $0x60  }
0xae: {  	[dreg:$0x2] =	wrdreg s2  }
0xaf: {  	[dreg:$0x3] =	wrdreg s24  }
0xb0: {  	[dreg:$0x4] =	wrdreg $0x81000  }
0xb1: {  	[dreg:$0x5] =	wrdreg $0x9  }
0xb2: {  	_ =	task.clear_ibuf [dreg:s7], $0x6FFFF;
	_ =	strace $0x90000049  }
0xb3: {  	s29 =	simm.s32 $0x9;
	_ =	strace $0x8000004B  }
0xb4: {  	_ =	swait.ge [sflag:s29], $0x1  }
0xb5: {  	[sflag:s29] =	ssyncadd.s32 $0xFFFFFFFF  }
0xb6: {  	_ =	strace $0x9000004B  }
0xb7: {  	_ =	sfence  }
0xb8: {  	s30 =	sld [smem:$0x0];
	_ =	sdelay $0x2  }
0xb9: {  	s31 =	sshll.u32 s1, $0xD;
	s1 =	sshrl.u32 s1, $0x2  }
0xba: {  	s3 =	sand.u32 $0x4000, s31;
	s1 =	sadd.s32 s1, s30  }
0xbb: {  	s0 =	sor.u32 s3, s0;
	s1 =	sshll.u32 s1, $0x11  }
0xbc: {  	s0 =	sor.u32 s1, s0  }
0xbd: {  	s0 =	sadd.s32 $0x8F2B, s0  }
0xbe: {  	[sflag:s0] =	ssyncadd.remote.s32 $0x1  }
0xbf: {  	_ =	sfence.sel $0xFFFF  }
0xc0: {  	[dreg:$0x0] =	wrdreg $0xFFFFFFFF;
	(pc) =	sbr.abs _section_cstart, $3  }
0xc1: {  	[dreg:$0x1] =	wrdreg $0xFFFFFFFF  }
0xc2: {  	_ =	task.clear_ibuf [dreg:s7], $0x2FFFF;
	_ =	strace $0x9FFFFFFF  }
0xc3: {  	(tm) =	ssettm $0x7FFFFFFF  }
tec
execute0_lowered:
.L_overlay_start_1:
0x0: {  	(tag) =	ssettag $0x1  }
0x1: {  	s0 =	rddreg [dreg:$0x0]  }
0x2: {  	s1 =	srdreg.scid;
	s6 =	rddreg [dreg:$0x1]  }
0x3: {  	s3 =	rddreg [dreg:$0x2];
	s2 =	stileid.u32  }
0x4: {  	s4 =	simm.s32 $0x0;
	s22 =	simm.s32 $0x80;
	s23 =	simm.s32 $0x12100  }
0x5: {  	s24 =	simm.s32 $0x0;
	s13 =	sand.u32 $0x1, s1;
	s1 =	rddreg [dreg:$0x3]  }
0x6: {  	[smem:$0x7FF] =	sst s4;
	s14 =	smul.u32 $0xA000, s2;
	s18 =	sadd.s32 $0x1C00, s6  }
0x7: {  	s5 =	sshll.u32 s13, $0x4;
	_ =	strace $0x8000004A;
	s7 =	ssub.s32 $0x2, s13  }
0x8: {  	s21 =	smul.u32 $0xA0000, s13;
	p0 =	seq.s32 s13, $0x0;
	s13 =	simm.s32 $0x61  }
0x9: {  	s5 =	sor.u32 s2, s5;
	s9 =	sshrl.u32 s7, $0x1;
	s15 =	sadd.s32 $0x2000, s14  }
0xa: {  	s16 =	sadd.s32 $0x4000, s14;
	s17 =	sadd.s32 $0x6000, s14;
	s20 =	sadd.s32 $0x8000, s14  }
0xb: {  	s13 =	simm.s32 @!p0 $0x3D;
	s5 =	smul.u32 $0x610, s5;
	s19 =	ssub.s32 s7, s9  }
0xc: {  	s9 =	sadd.s32 s15, s3;
	s10 =	sadd.s32 s16, s3;
	s11 =	sadd.s32 s17, s3  }
0xd: {  	s12 =	sadd.s32 s20, s3;
	s15 =	sadd.s32 s21, s15;
	s16 =	sadd.s32 s21, s16  }
0xe: {  	s17 =	sadd.s32 s21, s17;
	s20 =	sadd.s32 s21, s20;
	s15 =	sshrl.u32 s15, $0x3  }
0xf: {  	s16 =	sshrl.u32 s16, $0x3;
	s17 =	sshrl.u32 s17, $0x3;
	s20 =	sshrl.u32 s20, $0x3  }
0x10: {  	s19 =	smax.u32 s19, $0x1;
	s8 =	sadd.s32 s5, s6;
	s5 =	sadd.s32 $0x54C00, s6  }
0x11: {  	s15 =	sadd.s32 s18, s15;
	s16 =	sadd.s32 s18, s16;
	s6 =	sadd.s32 $0x3C800, s8  }
0x12: {  	s7 =	sadd.s32 $0x48A00, s8;
	s8 =	sadd.s32 s14, s3;
	s14 =	sadd.s32 s14, s21  }
0x13: {  	s17 =	sadd.s32 s18, s17;
	s21 =	simm.s32 $0x6100;
	s14 =	sshrl.u32 s14, $0x3  }
0x14: {  	s14 =	sadd.s32 s18, s14;
	s18 =	sadd.s32 s18, s20;
	s20 =	simm.s32 $0x1  }
.LBB2_1:
0x15: {  	[tilespmem:s4], [sflag:$0x1] =	stream.linear.gather [hbm4b:s6+s4], $0x3080, $0x38;
	[tilespmem:$0x14100] =	vst v63  }
0x16: {  	_ =	swait.ge [sflag:s20], $0x3080  }
0x17: {  	[sflag:s20] =	ssyncset.done $0x0  }
0x18: {  	s25 =	simm.s32 $0x3080;
	[sflag:s20] =	ssyncadd.s32 $0xFFFFCF80  }
0x19: {  	[tilespmem:s25], [sflag:$0x1] =	stream.linear.gather [hbm4b:s7+s4], $0x3080, $0x38;
	[tilespmem:$0x14100] =	vst v63  }
0x1a: {  	_ =	swait.ge [sflag:s20], $0x3080  }
0x1b: {  	[sflag:s20] =	ssyncset.done $0x0  }
0x1c: {  	[sflag:s20] =	ssyncadd.s32 $0xFFFFCF80  }
0x1d: {  	[tilespmem:s21], [sflag:$0x1] =	stream.linear.gather [hbm4b:s5+s4], $0x2000, $0x38;
	[tilespmem:$0x14100] =	vst v63  }
0x1e: {  	_ =	swait.ge [sflag:s20], $0x2000  }
0x1f: {  	[sflag:s20] =	ssyncset.done $0x0  }
0x20: {  	[sflag:s20] =	ssyncadd.s32 $0xFFFFE000  }
0x21: {  	[spmem:s8] =	stream.linear.scatter [tilespmem:s21], [sflag:$0x1], $0x2000, $0x38;
	[tilespmem:$0x14100] =	vst v63  }
0x22: {  	_ =	swait.ge [sflag:s20], $0x2000  }
0x23: {  	[sflag:s20] =	ssyncset.done $0x0  }
0x24: {  	[sflag:s20] =	ssyncadd.s32 $0xFFFFE000  }
0x25: {  	[spmem:s9] =	stream.linear.scatter [tilespmem:s21], [sflag:$0x1], $0x2000, $0x38;
	[tilespmem:$0x14100] =	vst v63  }
0x26: {  	_ =	swait.ge [sflag:s20], $0x2000  }
0x27: {  	[sflag:s20] =	ssyncset.done $0x0  }
0x28: {  	[sflag:s20] =	ssyncadd.s32 $0xFFFFE000  }
0x29: {  	[spmem:s10] =	stream.linear.scatter [tilespmem:s21], [sflag:$0x1], $0x2000, $0x38;
	[tilespmem:$0x14100] =	vst v63  }
0x2a: {  	_ =	swait.ge [sflag:s20], $0x2000  }
0x2b: {  	[sflag:s20] =	ssyncset.done $0x0  }
0x2c: {  	[sflag:s20] =	ssyncadd.s32 $0xFFFFE000  }
0x2d: {  	[spmem:s11] =	stream.linear.scatter [tilespmem:s21], [sflag:$0x1], $0x2000, $0x38;
	[tilespmem:$0x14100] =	vst v63  }
0x2e: {  	_ =	swait.ge [sflag:s20], $0x2000  }
0x2f: {  	[sflag:s20] =	ssyncset.done $0x0  }
0x30: {  	[sflag:s20] =	ssyncadd.s32 $0xFFFFE000  }
0x31: {  	[spmem:s12] =	stream.linear.scatter [tilespmem:s21], [sflag:$0x1], $0x2000, $0x38;
	[tilespmem:$0x14100] =	vst v63  }
0x32: {  	_ =	swait.ge [sflag:s20], $0x2000  }
0x33: {  	[sflag:s20] =	ssyncset.done $0x0  }
0x34: {  	[sflag:s20] =	ssyncadd.s32 $0xFFFFE000  }
0x35: {  	[bflag:$0x0] =	sbarrier.arrive $0xFFFF  }
0x36: {  	[tilespmem:s23], [sflag:$0x1] =	stream.indirect.gather [hbm4b:s0+s22], $0x40, s4, s22, $0xb8;
	[tilespmem:$0x14100] =	vst v63  }
0x37: {  	p0 =	sne.s32 s13, $0x1;
	_ =	swait.ge [sflag:s20], $0x2000  }
.Ltmp0:
0x38: {  	[sflag:s20] =	ssyncset.done $0x0;
	(pc) =	sbr.rel @!p0 .LBB2_3-.Ltmp0, $4  }
0x39: {  	[sflag:s20] =	ssyncadd.s32 $0xFFFFE000  }
0x3a: {  	[spmem:s3] =	stream.indirect.scatter.add.f32 [tilespmem:s23], [sflag:$0x1], $0x40, s25, s22, $0xb8;
	[tilespmem:$0x14100] =	vst v63  }
0x3b: {  	_ =	swait.ge [sflag:s20], $0x2000  }
0x3c: {  	s26 =	sadd.s32 $0xFFFFFFFF, s13;
	s28 =	simm.s32 $0x0;
	[sflag:s20] =	ssyncset.done $0x0  }
.LBB2_2:
0x3d: {  	[sflag:s20] =	ssyncadd.s32 $0xFFFFE000;
	s28 =	sadd.s32 $0x80, s28;
	s25 =	sadd.s32 $0x80, s25  }
0x3e: {  	[tilespmem:s23], [sflag:$0x1] =	stream.indirect.gather [hbm4b:s0+s22], $0x40, s28, s22, $0xb8;
	[tilespmem:$0x14100] =	vst v63  }
0x3f: {  	p0 =	sne.s32 s26, $0x1;
	s26 =	sadd.s32 $0xFFFFFFFF, s26;
	_ =	swait.ge [sflag:s20], $0x2000  }
.Ltmp1:
0x40: {  	[sflag:s20] =	ssyncset.done $0x0;
	(pc) =	sbr.rel @p0 .LBB2_2-.Ltmp1, $4  }
0x41: {  	[sflag:s20] =	ssyncadd.s32 $0xFFFFE000  }
0x42: {  	[spmem:s3] =	stream.indirect.scatter.add.f32 [tilespmem:s23], [sflag:$0x1], $0x40, s25, s22, $0xb8;
	[tilespmem:$0x14100] =	vst v63  }
0x43: {  	_ =	swait.ge [sflag:s20], $0x2000  }
0x44: {  	[sflag:s20] =	ssyncset.done $0x0  }
.LBB2_3:
0x45: {  	[sflag:s20] =	ssyncadd.s32 $0xFFFFE000;
	s25 =	sshll.u32 s2, $0x6  }
0x46: {  	s26 =	sshrl.u32 s8, $0x3;
	[bflag:$0x0] =	sbarrier.arrive $0xFFFF;
	s25 =	sor.u32 $0x1C01, s25  }
0x47: {  	[hbm:s14], [sflag:s25] =	dma.local [spmem:s26], $0x400  }
0x48: {  	_ =	swait.ge [sflag:s20], $0x400  }
0x49: {  	[sflag:s20] =	ssyncset.done $0x0  }
0x4a: {  	s28 =	sshrl.u32 s9, $0x3;
	[sflag:s20] =	ssyncadd.s32 $0xFFFFFC00  }
0x4b: {  	[hbm:s15], [sflag:s25] =	dma.local [spmem:s28], $0x400  }
0x4c: {  	_ =	swait.ge [sflag:s20], $0x400  }
0x4d: {  	[sflag:s20] =	ssyncset.done $0x0  }
0x4e: {  	s29 =	sshrl.u32 s10, $0x3;
	[sflag:s20] =	ssyncadd.s32 $0xFFFFFC00  }
0x4f: {  	[hbm:s16], [sflag:s25] =	dma.local [spmem:s29], $0x400  }
0x50: {  	_ =	swait.ge [sflag:s20], $0x400  }
0x51: {  	[sflag:s20] =	ssyncset.done $0x0  }
0x52: {  	s30 =	sshrl.u32 s11, $0x3;
	[sflag:s20] =	ssyncadd.s32 $0xFFFFFC00  }
0x53: {  	[hbm:s17], [sflag:s25] =	dma.local [spmem:s30], $0x400  }
0x54: {  	s24 =	sadd.s32 $0x1, s24;
	_ =	swait.ge [sflag:s20], $0x400  }
0x55: {  	p0 =	sne.s32 s24, s19;
	[sflag:s20] =	ssyncset.done $0x0  }
.Ltmp2:
0x56: {  	s31 =	sshrl.u32 s12, $0x3;
	[sflag:s20] =	ssyncadd.s32 $0xFFFFFC00;
	(pc) =	sbr.rel @p0 .LBB2_1-.Ltmp2, $4  }
0x57: {  	[hbm:s18], [sflag:s25] =	dma.local [spmem:s31], $0x400  }
0x58: {  	_ =	swait.ge [sflag:s20], $0x400  }
0x59: {  	[sflag:s20] =	ssyncset.done $0x0  }
0x5a: {  	[sflag:s20] =	ssyncadd.s32 $0xFFFFFC00  }
0x5b: {  	_ =	sfence.sel $0x180000  }
0x5c: {  	[bflag:$0x0] =	sbarrier.arrive $0xFFFF  }
0x5d: {  	p0 =	sne.s32 s2, $0x0;
	_ =	strace $0x9000004A  }
0x5e: {  	s0 =	sadd.s32 @!p0 $0x100000, s1;
	[bflag:$0x2] =	sbarrier.arrive $0xFFFF  }
0x5f: {  	[sflag:s0] =	ssyncadd.tile.s32 @!p0 $0x1;
	_ =	shalt  }
.Lfunc_end2:
_tile_overlayer_lowered:
.L_overlay_start_2:
0x60: {  	(tag) =	ssettag $0x2  }
0x61: {  	s0 =	rddreg [dreg:$0x0];
	s2 =	stileid.u32  }
0x62: {  	s1 =	rddreg [dreg:$0x1];
	p0 =	sne.s32 s2, $0x0  }
0x63: {  	s3 =	rddreg [dreg:$0x2];
	[bflag:$0x3] =	sbarrier.arrive $0xFFFF;
	s2 =	simm.s32 @!p0 $0x1C01  }
0x64: {  	[timem:s3], [sflag:s2] =	dma.local @!p0 [hbm:s0], s1  }
0x65: {  	s0 =	simm.s32 @!p0 $0x1  }
0x66: {  	_ =	swait.ge @!p0 [sflag:s0], s1  }
0x67: {  	s1 =	ssub.s32 @!p0 $0x0, s1;
	[sflag:s0] =	ssyncset.done @!p0 $0x0  }
0x68: {  	[sflag:s0] =	ssyncadd.s32 @!p0 s1  }
0x69: {  	[bflag:$0x3] =	sbarrier.arrive $0xFFFF  }
0x6a: {  	_ =	shalt  }

// kernel: kernel.7.cloned.1.call-start
scs
__scs_entry_jumppad:
0x0: {  	(pc) =	sbr.rel $0x88, $3  }
0x1: {  	(tag) =	ssettag $0x0;
	lr =	simm.s32 $0x1  }
0x2: {  	[smem:$0x3F99] =	sst lr;
	_ =	strace $0xD0000000  }
0x3: {  	_ = 	snop  }
0x4: {  	_ = 	snop  }
0x5: {  	_ = 	snop  }
0x6: {  	_ = 	snop  }
0x7: {  	_ = 	snop  }
__scs_overlays_trampoline_lowered:
0x8: {  	[smem:$0x3FA8] =	sst s0  }
0x9: {  	[smem:$0x3FA9] =	sst s1  }
0xa: {  	[smem:$0x3FAA] =	sst s2  }
0xb: {  	[smem:$0x3FAB] =	sst s3  }
0xc: {  	[smem:$0x3FAC] =	sst s4  }
0xd: {  	[smem:$0x3FAD] =	sst s5  }
0xe: {  	[smem:$0x3FAE] =	sst s6  }
0xf: {  	[smem:$0x3FAF] =	sst s7  }
0x10: {  	[smem:$0x3FB0] =	sst s8  }
0x11: {  	[smem:$0x3FB1] =	sst s9;
	s0 =	simm.s32 @!p0 $0x0  }
0x12: {  	s1 =	sld [smem:$0x3F97];
	s0 =	simm.s32 @p0 $0x1  }
0x13: {  	[smem:$0x3FB2] =	sst s0;
	s0 =	simm.s32 @!p1 $0x0  }
0x14: {  	s2 =	sld [smem:$0x3F96];
	s0 =	simm.s32 @p1 $0x1  }
0x15: {  	[smem:$0x3FB3] =	sst s0;
	s0 =	simm.s32 @!p2 $0x0  }
0x16: {  	s3 =	sld [smem:$0x3FDB];
	s0 =	simm.s32 @p2 $0x1  }
0x17: {  	s4 =	simm.s32 $0x1BF5;
	[smem:$0x3FB5] =	sst s0  }
0x18: {  	s0 =	sld [smem:$0x3F98];
	_ =	swait.ge [sflag:s4], $0x0  }
0x19: {  	s7 =	sld [smem:$0x3F99]  }
0x1a: {  	s8 =	sadd.s32 $0xFFFFE003, lr  }
0x1b: {  	s9 =	sadd.s32 $0xFFFFFEF7, lr;
	s5 =	simm.s32 $0xFFFFFFFF;
	p2 =	slt.u32 s8, $0xFFFFF086  }
0x1c: {  	p1 =	slt.u32 s9, $0xF7A;
	s5 =	simm.s32 @!p2 $0x0  }
0x1d: {  	s5 =	simm.s32 @p1 $0x1;
	p0 =	seq.s32 s7, s2  }
0x1e: {  	s7 =	smul.u32 @!p0 $0xF7A, s2;
	p2 =	seq.s32 @!p0 s5, $0x0  }
0x1f: {  	s9 =	smul.u32 $0xF7A, s1;
	s8 =	simm.s32 @!p0 $0x1BF5;
	p2 =	por !p2, p0  }
0x20: {  	[sflag:s8] =	ssyncset.s32 @!p0 $0xFFFFF086;
	s6 =	sadd.s32 @!p0 s3, s7;
	s7 =	simm.s32 @!p0 $0x108  }
0x21: {  	s3 =	sadd.s32 s3, s9;
	s6 =	sadd.s32 @!p0 $0x88, s6;
	s7 =	simm.s32 @p2 $0x1082  }
0x22: {  	[simem:s7], [sflag:s8] =	dma.local @!p0 [hbm:s6], $0xF7A  }
0x23: {  	s9 =	sor.u32 $0xD0000000, s2;
	s6 =	simm.s32 $0x108;
	_ =	swait.ge @!p0 [sflag:s8], $0x0  }
0x24: {  	s3 =	sadd.s32 $0x88, s3;
	s6 =	simm.s32 @!p1 $0x1082;
	[sflag:s4] =	ssyncset.s32 $0xFFFFF086  }
0x25: {  	[simem:s6], [sflag:s4] =	dma.local [hbm:s3], $0xF7A  }
0x26: {  	[smem:$0x3F99] =	sst s1;
	(tag) =	ssettag s2;
	_ =	strace s9  }
0x27: {  	s1 =	sld [smem:$0x3FA9]  }
0x28: {  	s2 =	sld [smem:$0x3FAA]  }
0x29: {  	s4 =	sld [smem:$0x3FAC]  }
0x2a: {  	p0 =	seq.s32 s5, $0x0;
	s5 =	sld [smem:$0x3FAD]  }
0x2b: {  	s6 =	sld [smem:$0x3FAE]  }
0x2c: {  	s7 =	sld [smem:$0x3FAF]  }
0x2d: {  	s3 =	simm.s32 $0x108;
	s8 =	sld [smem:$0x3FB0]  }
0x2e: {  	s3 =	simm.s32 @!p0 $0x1082;
	s9 =	sld [smem:$0x3FB1]  }
0x2f: {  	lr =	sadd.s32 s0, s3;
	s0 =	sld [smem:$0x3FA8]  }
0x30: {  	s3 =	sld [smem:$0x3FAB]  }
0x31: {  	[smem:$0x3FB4] =	sst s10  }
0x32: {  	s10 =	sld [smem:$0x3FB2];
	_ =	sdelay $0x3  }
0x33: {  	p0 =	seq.s32 s10, $0x1;
	s10 =	sld [smem:$0x3FB4];
	_ =	sdelay $0x3  }
0x34: {  	[smem:$0x3FB4] =	sst s10  }
0x35: {  	s10 =	sld [smem:$0x3FB3];
	_ =	sdelay $0x3  }
0x36: {  	p1 =	seq.s32 s10, $0x1;
	s10 =	sld [smem:$0x3FB4];
	_ =	sdelay $0x3  }
0x37: {  	[smem:$0x3FB4] =	sst s10  }
0x38: {  	s10 =	sld [smem:$0x3FB5]  }
0x39: {  	_ = 	snop;
	(pc) =	sbr.ind lr, $3  }
0x3a: {  	_ = 	snop  }
0x3b: {  	_ = 	snop  }
0x3c: {  	p2 =	seq.s32 s10, $0x1;
	s10 =	sld [smem:$0x3FB4]  }
0x3d: {  	_ =	shalt  }
0x3e: {  	_ =	shalt  }
0x3f: {  	_ =	shalt  }
0x40: {  	_ =	shalt  }
0x41: {  	_ =	shalt  }
0x42: {  	_ =	shalt  }
0x43: {  	_ =	shalt  }
0x44: {  	_ =	shalt  }
0x45: {  	_ =	shalt  }
0x46: {  	_ =	shalt  }
0x47: {  	_ =	shalt  }
0x48: {  	_ =	shalt  }
0x49: {  	_ =	shalt  }
0x4a: {  	_ =	shalt  }
0x4b: {  	_ =	shalt  }
0x4c: {  	_ =	shalt  }
0x4d: {  	_ =	shalt  }
0x4e: {  	_ =	shalt  }
0x4f: {  	_ =	shalt  }
0x50: {  	_ =	shalt  }
0x51: {  	_ =	shalt  }
0x52: {  	_ =	shalt  }
0x53: {  	_ =	shalt  }
0x54: {  	_ =	shalt  }
0x55: {  	_ =	shalt  }
0x56: {  	_ =	shalt  }
0x57: {  	_ =	shalt  }
0x58: {  	_ =	shalt  }
0x59: {  	_ =	shalt  }
0x5a: {  	_ =	shalt  }
0x5b: {  	_ =	shalt  }
0x5c: {  	_ =	shalt  }
0x5d: {  	_ =	shalt  }
0x5e: {  	_ =	shalt  }
0x5f: {  	_ =	shalt  }
0x60: {  	_ =	shalt  }
0x61: {  	_ =	shalt  }
0x62: {  	_ =	shalt  }
0x63: {  	_ =	shalt  }
0x64: {  	_ =	shalt  }
0x65: {  	_ =	shalt  }
0x66: {  	_ =	shalt  }
0x67: {  	_ =	shalt  }
0x68: {  	_ =	shalt  }
0x69: {  	_ =	shalt  }
0x6a: {  	_ =	shalt  }
0x6b: {  	_ =	shalt  }
0x6c: {  	_ =	shalt  }
0x6d: {  	_ =	shalt  }
0x6e: {  	_ =	shalt  }
0x6f: {  	_ =	shalt  }
0x70: {  	_ =	shalt  }
0x71: {  	_ =	shalt  }
0x72: {  	_ =	shalt  }
0x73: {  	_ =	shalt  }
0x74: {  	_ =	shalt  }
0x75: {  	_ =	shalt  }
0x76: {  	_ =	shalt  }
0x77: {  	_ =	shalt  }
0x78: {  	_ =	shalt  }
0x79: {  	_ =	shalt  }
0x7a: {  	_ =	shalt  }
0x7b: {  	_ =	shalt  }
0x7c: {  	_ =	shalt  }
0x7d: {  	_ =	shalt  }
0x7e: {  	_ =	shalt  }
0x7f: {  	_ =	shalt  }
0x80: {  	_ =	shalt  }
0x81: {  	_ =	shalt  }
0x82: {  	_ =	shalt  }
0x83: {  	_ =	shalt  }
0x84: {  	_ =	shalt  }
0x85: {  	_ =	shalt  }
0x86: {  	_ =	shalt  }
0x87: {  	_ =	shalt  }
.Lfunc_end0:
.L_simem_size_0:
called_computation_lowered:
.L_overlay_start_0:
0x88: {  	s2 =	sld [smem:$0x3FD9]  }
0x89: {  	s3 =	sld [smem:$0x3FFE];
	_ =	sdelay $0x1  }
0x8a: {  	s1 =	srdreg.scid  }
0x8b: {  	s0 =	sand.u32 $0x1, s1  }
0x8c: {  	s17 =	sshll.u32 s0, $0xA;
	s2 =	sadd.s32 s3, s2  }
0x8d: {  	s2 =	sadd.s32 s2, s17  }
0x8e: {  	[smem:$0x3FC0] =	sst s2  }
0x8f: {  	_ = 	snop  }
0x90: {  	s2 =	sld [smem:$0x3FD0];
	(tm) =	ssettm $0x1  }
0x91: {  	s18 =	sld [smem:$0x3FFB];
	_ =	sdelay $0x3  }
0x92: {  	_ =	strace s18  }
0x93: {  	s3 =	sld [smem:$0x3FFC];
	_ =	sdelay $0x3  }
0x94: {  	_ =	strace s3  }
0x95: {  	s3 =	sld [smem:$0x3FFD];
	_ =	sdelay $0x3  }
0x96: {  	_ =	strace s3  }
0x97: {  	_ =	strace $0x8FFFFFFF  }
0x98: {  	s19 =	sld [smem:$0x3FDB];
	_ =	sdelay $0x1  }
0x99: {  	s4 =	simm.s32 $_scs_section_size  }
0x9a: {  	s5 =	simm.s32 $_size__tile_overlayer_lowered;
	s6 =	simm.s32 $_tile_overlayer_lowered  }
0x9b: {  	s22 =	simm.s32 $0x1BFF;
	s21 =	sshll.u32 s6, $0x1;
	s3 =	sadd.s32 s4, s19  }
0x9c: {  	s7 =	simm.s32 $0x0;
	s20 =	sshll.u32 s5, $0x1;
	s5 =	sadd.s32 s21, s3  }
0x9d: {  	[timem:s7], [sflag:s22] =	dma.local [hbm:s5], s20  }
0x9e: {  	_ =	swait.ge [sflag:s22], s20  }
0x9f: {  	s4 =	ssub.s32 $0x0, s20;
	[sflag:s22] =	ssyncset.done $0x0  }
0xa0: {  	[sflag:s22] =	ssyncadd.s32 s4;
	_ =	sdelay $0x1  }
0xa1: {  	s23 =	simm.s32 $0x1B8B  }
0xa2: {  	_ =	swait.ge [sflag:s23], $0x1  }
0xa3: {  	[sflag:s23] =	ssyncset.done $0x0  }
0xa4: {  	s25 =	simm.s32 $0x1B8E;
	s24 =	sld [smem:$0x3FFE];
	[sflag:s23] =	ssyncadd.s32 $0xFFFFFFFF  }
0xa5: {  	s26 =	simm.s32 $execute0_lowered;
	[smem:$0x3FD2] =	sst s25  }
0xa6: {  	s5 =	sshll.u32 s26, $0x1;
	_ =	strace $0x80000046;
	[dreg:$0x1] =	wrdreg $0xFFFFFFFF  }
0xa7: {  	s28 =	simm.s32 $_size_execute0_lowered;
	s3 =	sadd.s32 s3, s5;
	[dreg:$0x0] =	wrdreg $0x0  }
0xa8: {  	s5 =	sshll.u32 s28, $0x1;
	[dreg:$0x2] =	wrdreg s3  }
0xa9: {  	[dreg:$0x3] =	wrdreg s5  }
0xaa: {  	[dreg:$0x4] =	wrdreg $0xC0  }
0xab: {  	_ =	task [dreg:s7], $0x5FFFF  }
0xac: {  	[dreg:$0x1] =	wrdreg $0xFFFFFFFF  }
0xad: {  	[dreg:$0x0] =	wrdreg $0x60  }
0xae: {  	[dreg:$0x2] =	wrdreg s2  }
0xaf: {  	[dreg:$0x3] =	wrdreg s24  }
0xb0: {  	[dreg:$0x4] =	wrdreg $0x81800  }
0xb1: {  	[dreg:$0x5] =	wrdreg $0x121800  }
0xb2: {  	[dreg:$0x6] =	wrdreg $0x9  }
0xb3: {  	_ =	task.clear_ibuf [dreg:s7], $0x7FFFF;
	_ =	strace $0x90000046  }
0xb4: {  	s29 =	simm.s32 $0x9;
	_ =	strace $0x80000048  }
0xb5: {  	_ =	swait.ge [sflag:s29], $0x1  }
0xb6: {  	[sflag:s29] =	ssyncadd.s32 $0xFFFFFFFF  }
0xb7: {  	_ =	strace $0x90000048  }
0xb8: {  	_ =	sfence  }
0xb9: {  	s30 =	sld [smem:$0x0];
	_ =	sdelay $0x2  }
0xba: {  	s31 =	sshll.u32 s1, $0xD;
	s1 =	sshrl.u32 s1, $0x2  }
0xbb: {  	s3 =	sand.u32 $0x4000, s31;
	s1 =	sadd.s32 s1, s30  }
0xbc: {  	s0 =	sor.u32 s3, s0;
	s1 =	sshll.u32 s1, $0x11  }
0xbd: {  	s0 =	sor.u32 s1, s0  }
0xbe: {  	s0 =	sadd.s32 $0x8F2B, s0  }
0xbf: {  	[sflag:s0] =	ssyncadd.remote.s32 $0x1  }
0xc0: {  	_ =	sfence.sel $0xFFFF  }
0xc1: {  	[dreg:$0x0] =	wrdreg $0xFFFFFFFF;
	(pc) =	sbr.abs _section_cstart, $3  }
0xc2: {  	[dreg:$0x1] =	wrdreg $0xFFFFFFFF  }
0xc3: {  	_ =	task.clear_ibuf [dreg:s7], $0x2FFFF;
	_ =	strace $0x9FFFFFFF  }
0xc4: {  	(tm) =	ssettm $0x7FFFFFFF  }
0xc5: {  	_ =	shalt  }
tec
execute0_lowered:
.L_overlay_start_1:
0x0: {  	(tag) =	ssettag $0x1  }
0x1: {  	s0 =	srdreg.scid;
	s1 =	rddreg [dreg:$0x0]  }
0x2: {  	s11 =	stileid.u32;
	s5 =	rddreg [dreg:$0x1];
	s4 =	simm.s32 $0x0  }
0x3: {  	s0 =	sand.u32 $0x1, s0;
	s7 =	smul.u32 $0x280, s11;
	[smem:$0x7FF] =	sst s4  }
0x4: {  	s9 =	sadd.s32 $0x55400, s5;
	s12 =	sadd.s32 $0x7D400, s5;
	s8 =	smul.u32 $0x2800, s0  }
0x5: {  	s2 =	sshll.u32 s0, $0x4;
	s10 =	ssub.s32 $0x2, s0;
	s14 =	smul.u32 $0xA0000, s0  }
0x6: {  	p0 =	seq.s32 s0, $0x0;
	s3 =	sor.u32 s11, s2;
	s11 =	smul.u32 $0xA000, s11  }
0x7: {  	s2 =	rddreg [dreg:$0x2];
	s13 =	sshrl.u32 s10, $0x1;
	s6 =	smul.u32 $0x610, s3  }
0x8: {  	s3 =	rddreg [dreg:$0x3];
	s8 =	sadd.s32 s7, s8;
	s10 =	ssub.s32 s10, s13  }
0x9: {  	s0 =	sadd.s32 $0x2000, s11;
	s13 =	sadd.s32 $0x4000, s11;
	s15 =	sadd.s32 s11, s14  }
0xa: {  	s17 =	sadd.s32 $0x6000, s11;
	s18 =	sadd.s32 $0x8000, s11;
	s8 =	sshrl.u32 s8, $0x3  }
0xb: {  	s29 =	sadd.s32 s7, s3;
	s31 =	smax.u32 s10, $0x1;
	s7 =	simm.s32 $0x12400  }
0xc: {  	s15 =	sshrl.u32 s15, $0x3;
	s16 =	sadd.s32 s14, s0;
	s25 =	sadd.s32 s14, s13  }
0xd: {  	s20 =	sadd.s32 s14, s17;
	s14 =	sadd.s32 s14, s18;
	s6 =	sadd.s32 s6, s5  }
0xe: {  	s8 =	sadd.s32 s8, s5;
	s28 =	sadd.s32 s18, s2;
	s19 =	sadd.s32 s9, s15  }
0xf: {  	s16 =	sshrl.u32 s16, $0x3;
	s20 =	sshrl.u32 s20, $0x3;
	s14 =	sshrl.u32 s14, $0x3  }
0x10: {  	s15 =	sadd.s32 s12, s15;
	s30 =	sadd.s32 $0xA5400, s8;
	[dreg:$0x5] =	wrdreg s19  }
0x11: {  	s8 =	simm.s32 $0x0;
	s24 =	sadd.s32 s9, s16;
	[dreg:$0xa] =	wrdreg s15  }
0x12: {  	s19 =	sshrl.u32 s25, $0x3;
	s26 =	sadd.s32 s9, s20;
	[dreg:$0x6] =	wrdreg s24  }
0x13: {  	s23 =	sadd.s32 s12, s20;
	s25 =	sadd.s32 $0x54C00, s5;
	[dreg:$0x8] =	wrdreg s26  }
0x14: {  	s21 =	sadd.s32 s9, s19;
	s9 =	sadd.s32 s9, s14;
	[dreg:$0xd] =	wrdreg s23  }
0x15: {  	s22 =	sadd.s32 s12, s19;
	s24 =	sadd.s32 s12, s14;
	[dreg:$0x7] =	wrdreg s21  }
0x16: {  	s26 =	sadd.s32 $0x55000, s5;
	s19 =	simm.s32 $0x61;
	[dreg:$0x9] =	wrdreg s9  }
0x17: {  	s23 =	sadd.s32 s11, s2;
	s21 =	sadd.s32 s12, s16;
	[dreg:$0xc] =	wrdreg s22  }
0x18: {  	[dreg:$0xe] =	wrdreg s24;
	s16 =	sadd.s32 $0x28E00, s5;
	s5 =	sadd.s32 $0x55200, s5  }
0x19: {  	s19 =	simm.s32 @!p0 $0x3D;
	s22 =	sadd.s32 $0x48A00, s6;
	[dreg:$0xb] =	wrdreg s21  }
0x1a: {  	s24 =	sadd.s32 s0, s2;
	_ =	strace $0x80000047;
	[dreg:$0xf] =	wrdreg s25  }
0x1b: {  	s9 =	simm.s32 $0x1;
	s0 =	simm.s32 $0x6100;
	[dreg:$0x10] =	wrdreg s26  }
0x1c: {  	s21 =	sadd.s32 $0x3C800, s6;
	s6 =	simm.s32 $0x80;
	[dreg:$0x11] =	wrdreg s5  }
0x1d: {  	s25 =	sadd.s32 s13, s2;
	s26 =	sadd.s32 s17, s2;
	s5 =	simm.s32 $0x8100  }
.LBB2_1:
0x1e: {  	[tilespmem:s4], [sflag:$0x1] =	stream.linear.gather [hbm4b:s21+s4], $0x3080, $0x38;
	[tilespmem:$0x14400] =	vst v63  }
0x1f: {  	_ =	swait.ge [sflag:s9], $0x3080  }
0x20: {  	[sflag:s9] =	ssyncset.done $0x0  }
0x21: {  	s10 =	simm.s32 $0x3080;
	[sflag:s9] =	ssyncadd.s32 $0xFFFFCF80  }
0x22: {  	[tilespmem:s10], [sflag:$0x1] =	stream.linear.gather [hbm4b:s22+s4], $0x3080, $0x38;
	[tilespmem:$0x14400] =	vst v63  }
0x23: {  	_ =	swait.ge [sflag:s9], $0x3080  }
0x24: {  	[sflag:s9] =	ssyncset.done $0x0  }
0x25: {  	s11 =	rddreg [dreg:$0xf];
	[sflag:s9] =	ssyncadd.s32 $0xFFFFCF80  }
0x26: {  	[tilespmem:s0], [sflag:$0x1] =	stream.linear.gather [hbm4b:s11+s4], $0x2000, $0x38;
	[tilespmem:$0x14400] =	vst v63  }
0x27: {  	_ =	swait.ge [sflag:s9], $0x2000  }
0x28: {  	[sflag:s9] =	ssyncset.done $0x0  }
0x29: {  	s18 =	rddreg [dreg:$0x10];
	[sflag:s9] =	ssyncadd.s32 $0xFFFFE000  }
0x2a: {  	[tilespmem:s5], [sflag:$0x1] =	stream.linear.gather [hbm4b:s18+s4], $0x80, $0x38;
	[tilespmem:$0x14400] =	vst v63  }
0x2b: {  	_ =	swait.ge [sflag:s9], $0x80  }
0x2c: {  	[sflag:s9] =	ssyncset.done $0x0  }
0x2d: {  	[sflag:s9] =	ssyncadd.s32 $0xFFFFFF80  }
0x2e: {  	[spmem:s23] =	stream.linear.scatter [tilespmem:s0], [sflag:$0x1], $0x2000, $0x38;
	[tilespmem:$0x14400] =	vst v63  }
0x2f: {  	_ =	swait.ge [sflag:s9], $0x2000  }
0x30: {  	[sflag:s9] =	ssyncset.done $0x0  }
0x31: {  	[sflag:s9] =	ssyncadd.s32 $0xFFFFE000  }
0x32: {  	[spmem:s24] =	stream.linear.scatter [tilespmem:s0], [sflag:$0x1], $0x2000, $0x38;
	[tilespmem:$0x14400] =	vst v63  }
0x33: {  	_ =	swait.ge [sflag:s9], $0x2000  }
0x34: {  	[sflag:s9] =	ssyncset.done $0x0  }
0x35: {  	[sflag:s9] =	ssyncadd.s32 $0xFFFFE000  }
0x36: {  	[spmem:s25] =	stream.linear.scatter [tilespmem:s0], [sflag:$0x1], $0x2000, $0x38;
	[tilespmem:$0x14400] =	vst v63  }
0x37: {  	_ =	swait.ge [sflag:s9], $0x2000  }
0x38: {  	[sflag:s9] =	ssyncset.done $0x0  }
0x39: {  	[sflag:s9] =	ssyncadd.s32 $0xFFFFE000  }
0x3a: {  	[spmem:s26] =	stream.linear.scatter [tilespmem:s0], [sflag:$0x1], $0x2000, $0x38;
	[tilespmem:$0x14400] =	vst v63  }
0x3b: {  	_ =	swait.ge [sflag:s9], $0x2000  }
0x3c: {  	[sflag:s9] =	ssyncset.done $0x0  }
0x3d: {  	s20 =	stileid.u32;
	[sflag:s9] =	ssyncadd.s32 $0xFFFFE000  }
0x3e: {  	[spmem:s28] =	stream.linear.scatter [tilespmem:s0], [sflag:$0x1], $0x2000, $0x38;
	[tilespmem:$0x14400] =	vst v63  }
0x3f: {  	s11 =	sshll.u32 s20, $0x6;
	_ =	swait.ge [sflag:s9], $0x2000  }
0x40: {  	s11 =	sor.u32 $0x1C01, s11;
	[sflag:s9] =	ssyncset.done $0x0  }
0x41: {  	s18 =	sshrl.u32 s29, $0x3;
	s12 =	rddreg [dreg:$0x11];
	[sflag:s9] =	ssyncadd.s32 $0xFFFFE000  }
0x42: {  	[spmem:s18], [sflag:s11] =	dma.local [hbm:s12], $0x50  }
0x43: {  	_ =	swait.ge [sflag:s9], $0x50  }
0x44: {  	[sflag:s9] =	ssyncset.done $0x0  }
0x45: {  	[sflag:s9] =	ssyncadd.s32 $0xFFFFFFB0  }
0x46: {  	[bflag:$0x0] =	sbarrier.arrive $0xFFFF  }
0x47: {  	[tilespmem:s7], [sflag:$0x1] =	stream.indirect.gather [hbm4b:s1+s6], $0x40, s4, s6, $0xb8;
	[tilespmem:$0x14400] =	vst v63  }
0x48: {  	_ =	swait.ge [sflag:s9], $0x2000  }
0x49: {  	[sflag:s9] =	ssyncset.done $0x0  }
0x4a: {  	[sflag:s9] =	ssyncadd.s32 $0xFFFFE000  }
0x4b: {  	[spmem:s2] =	stream.indirect.scatter.add.f32 [tilespmem:s7], [sflag:$0x1], $0x40, s10, s6, $0xb8;
	[tilespmem:$0x14400] =	vst v63  }
0x4c: {  	p0 =	sne.s32 s19, $0x1;
	_ =	swait.ge [sflag:s9], $0x2000  }
.Ltmp0:
0x4d: {  	[sflag:s9] =	ssyncset.done $0x0;
	(pc) =	sbr.rel @!p0 .LBB2_3-.Ltmp0, $4  }
0x4e: {  	[sflag:s9] =	ssyncadd.s32 $0xFFFFE000  }
0x4f: {  	[spmem:s3] =	stream.indirect.scatter.add.f32 [tilespmem:s5], [sflag:$0x1], $0x1, s10, s6, $0xb8;
	[tilespmem:$0x14400] =	vst v63  }
0x50: {  	s13 =	simm.s32 $0x0;
	_ =	swait.ge [sflag:s9], $0x80  }
0x51: {  	s14 =	simm.s32 $0x3080;
	s12 =	sadd.s32 $0xFFFFFFFF, s19;
	[sflag:s9] =	ssyncset.done $0x0  }
.LBB2_2:
0x52: {  	[sflag:s9] =	ssyncadd.s32 $0xFFFFFF80;
	s13 =	sadd.s32 $0x80, s13;
	s14 =	sadd.s32 $0x80, s14  }
0x53: {  	[tilespmem:s7], [sflag:$0x1] =	stream.indirect.gather [hbm4b:s1+s6], $0x40, s13, s6, $0xb8;
	[tilespmem:$0x14400] =	vst v63  }
0x54: {  	p1 =	sne.s32 s12, $0x1;
	s12 =	sadd.s32 $0xFFFFFFFF, s12;
	_ =	swait.ge [sflag:s9], $0x2000  }
0x55: {  	[sflag:s9] =	ssyncset.done $0x0  }
0x56: {  	[sflag:s9] =	ssyncadd.s32 $0xFFFFE000  }
0x57: {  	[spmem:s2] =	stream.indirect.scatter.add.f32 [tilespmem:s7], [sflag:$0x1], $0x40, s14, s6, $0xb8;
	[tilespmem:$0x14400] =	vst v63  }
0x58: {  	_ =	swait.ge [sflag:s9], $0x2000  }
.Ltmp1:
0x59: {  	[sflag:s9] =	ssyncset.done $0x0;
	(pc) =	sbr.rel @p1 .LBB2_2-.Ltmp1, $4  }
0x5a: {  	[sflag:s9] =	ssyncadd.s32 $0xFFFFE000  }
0x5b: {  	[spmem:s3] =	stream.indirect.scatter.add.f32 [tilespmem:s5], [sflag:$0x1], $0x1, s14, s6, $0xb8;
	[tilespmem:$0x14400] =	vst v63  }
0x5c: {  	_ =	swait.ge [sflag:s9], $0x80  }
0x5d: {  	[sflag:s9] =	ssyncset.done $0x0  }
.LBB2_3:
0x5e: {  	[sflag:s9] =	ssyncadd.s32 $0xFFFFFF80  }
0x5f: {  	[bflag:$0x0] =	sbarrier.arrive $0xFFFF  }
0x60: {  	s12 =	sshrl.u32 s23, $0x3;
	s13 =	rddreg [dreg:$0x5]  }
0x61: {  	[hbm:s13], [sflag:s11] =	dma.local [spmem:s12], $0x400  }
0x62: {  	_ =	swait.ge [sflag:s9], $0x400  }
0x63: {  	[sflag:s9] =	ssyncset.done $0x0  }
0x64: {  	s13 =	sshrl.u32 s24, $0x3;
	s14 =	rddreg [dreg:$0x6];
	[sflag:s9] =	ssyncadd.s32 $0xFFFFFC00  }
0x65: {  	[hbm:s14], [sflag:s11] =	dma.local [spmem:s13], $0x400  }
0x66: {  	_ =	swait.ge [sflag:s9], $0x400  }
0x67: {  	[sflag:s9] =	ssyncset.done $0x0  }
0x68: {  	s14 =	sshrl.u32 s25, $0x3;
	s15 =	rddreg [dreg:$0x7];
	[sflag:s9] =	ssyncadd.s32 $0xFFFFFC00  }
0x69: {  	[hbm:s15], [sflag:s11] =	dma.local [spmem:s14], $0x400  }
0x6a: {  	_ =	swait.ge [sflag:s9], $0x400  }
0x6b: {  	[sflag:s9] =	ssyncset.done $0x0  }
0x6c: {  	s15 =	sshrl.u32 s26, $0x3;
	s17 =	rddreg [dreg:$0x8];
	[sflag:s9] =	ssyncadd.s32 $0xFFFFFC00  }
0x6d: {  	[hbm:s17], [sflag:s11] =	dma.local [spmem:s15], $0x400  }
0x6e: {  	_ =	swait.ge [sflag:s9], $0x400  }
0x6f: {  	[sflag:s9] =	ssyncset.done $0x0  }
0x70: {  	s17 =	sshrl.u32 s28, $0x3;
	s20 =	rddreg [dreg:$0x9];
	[sflag:s9] =	ssyncadd.s32 $0xFFFFFC00  }
0x71: {  	[hbm:s20], [sflag:s11] =	dma.local [spmem:s17], $0x400  }
0x72: {  	_ =	swait.ge [sflag:s9], $0x400  }
0x73: {  	[sflag:s9] =	ssyncset.done $0x0  }
0x74: {  	[sflag:s9] =	ssyncadd.s32 $0xFFFFFC00  }
0x75: {  	[hbm:s30], [sflag:s11] =	dma.local [spmem:s18], $0x50  }
0x76: {  	_ =	swait.ge [sflag:s9], $0x50  }
0x77: {  	[sflag:s9] =	ssyncset.done $0x0  }
0x78: {  	[sflag:s9] =	ssyncadd.s32 $0xFFFFFFB0  }
0x79: {  	[spmem:s23] =	stream.linear.scatter [tilespmem:s0], [sflag:$0x1], $0x2000, $0x38;
	[tilespmem:$0x14400] =	vst v63  }
0x7a: {  	_ =	swait.ge [sflag:s9], $0x2000  }
0x7b: {  	[sflag:s9] =	ssyncset.done $0x0  }
0x7c: {  	[sflag:s9] =	ssyncadd.s32 $0xFFFFE000  }
0x7d: {  	[spmem:s24] =	stream.linear.scatter [tilespmem:s0], [sflag:$0x1], $0x2000, $0x38;
	[tilespmem:$0x14400] =	vst v63  }
0x7e: {  	_ =	swait.ge [sflag:s9], $0x2000  }
0x7f: {  	[sflag:s9] =	ssyncset.done $0x0  }
0x80: {  	[sflag:s9] =	ssyncadd.s32 $0xFFFFE000  }
0x81: {  	[spmem:s25] =	stream.linear.scatter [tilespmem:s0], [sflag:$0x1], $0x2000, $0x38;
	[tilespmem:$0x14400] =	vst v63  }
0x82: {  	_ =	swait.ge [sflag:s9], $0x2000  }
0x83: {  	[sflag:s9] =	ssyncset.done $0x0  }
0x84: {  	[sflag:s9] =	ssyncadd.s32 $0xFFFFE000  }
0x85: {  	[spmem:s26] =	stream.linear.scatter [tilespmem:s0], [sflag:$0x1], $0x2000, $0x38;
	[tilespmem:$0x14400] =	vst v63  }
0x86: {  	_ =	swait.ge [sflag:s9], $0x2000  }
0x87: {  	[sflag:s9] =	ssyncset.done $0x0  }
0x88: {  	[sflag:s9] =	ssyncadd.s32 $0xFFFFE000  }
0x89: {  	[spmem:s28] =	stream.linear.scatter [tilespmem:s0], [sflag:$0x1], $0x2000, $0x38;
	[tilespmem:$0x14400] =	vst v63  }
0x8a: {  	_ =	swait.ge [sflag:s9], $0x2000  }
0x8b: {  	[sflag:s9] =	ssyncset.done $0x0  }
0x8c: {  	[sflag:s9] =	ssyncadd.s32 $0xFFFFE000  }
0x8d: {  	s18 =	simm.s32 $0x0;
	[bflag:$0x0] =	sbarrier.arrive $0xFFFF  }
0x8e: {  	[tilespmem:s7], [sflag:$0x1] =	stream.indirect.gather [hbm4b:s16+s6], $0x40, s18, s6, $0xb8;
	[tilespmem:$0x14400] =	vst v63  }
0x8f: {  	_ =	swait.ge [sflag:s9], $0x2000  }
.Ltmp2:
0x90: {  	[sflag:s9] =	ssyncset.done $0x0;
	(pc) =	sbr.rel @!p0 .LBB2_5-.Ltmp2, $4  }
0x91: {  	[sflag:s9] =	ssyncadd.s32 $0xFFFFE000  }
0x92: {  	[spmem:s2] =	stream.indirect.scatter.add.f32 [tilespmem:s7], [sflag:$0x1], $0x40, s10, s6, $0xb8;
	[tilespmem:$0x14400] =	vst v63  }
0x93: {  	_ =	swait.ge [sflag:s9], $0x2000  }
0x94: {  	s20 =	sadd.s32 $0xFFFFFFFF, s19;
	[sflag:s9] =	ssyncset.done $0x0  }
.LBB2_4:
0x95: {  	[sflag:s9] =	ssyncadd.s32 $0xFFFFE000;
	s18 =	sadd.s32 $0x80, s18;
	s10 =	sadd.s32 $0x80, s10  }
0x96: {  	[tilespmem:s7], [sflag:$0x1] =	stream.indirect.gather [hbm4b:s16+s6], $0x40, s18, s6, $0xb8;
	[tilespmem:$0x14400] =	vst v63  }
0x97: {  	p0 =	sne.s32 s20, $0x1;
	s20 =	sadd.s32 $0xFFFFFFFF, s20;
	_ =	swait.ge [sflag:s9], $0x2000  }
.Ltmp3:
0x98: {  	[sflag:s9] =	ssyncset.done $0x0;
	(pc) =	sbr.rel @p0 .LBB2_4-.Ltmp3, $4  }
0x99: {  	[sflag:s9] =	ssyncadd.s32 $0xFFFFE000  }
0x9a: {  	[spmem:s2] =	stream.indirect.scatter.add.f32 [tilespmem:s7], [sflag:$0x1], $0x40, s10, s6, $0xb8;
	[tilespmem:$0x14400] =	vst v63  }
0x9b: {  	_ =	swait.ge [sflag:s9], $0x2000  }
0x9c: {  	[sflag:s9] =	ssyncset.done $0x0  }
.LBB2_5:
0x9d: {  	[sflag:s9] =	ssyncadd.s32 $0xFFFFE000  }
0x9e: {  	[bflag:$0x0] =	sbarrier.arrive $0xFFFF  }
0x9f: {  	s10 =	rddreg [dreg:$0xa]  }
0xa0: {  	[hbm:s10], [sflag:s11] =	dma.local [spmem:s12], $0x400  }
0xa1: {  	_ =	swait.ge [sflag:s9], $0x400  }
0xa2: {  	[sflag:s9] =	ssyncset.done $0x0  }
0xa3: {  	s12 =	rddreg [dreg:$0xb];
	[sflag:s9] =	ssyncadd.s32 $0xFFFFFC00  }
0xa4: {  	[hbm:s12], [sflag:s11] =	dma.local [spmem:s13], $0x400  }
0xa5: {  	_ =	swait.ge [sflag:s9], $0x400  }
0xa6: {  	[sflag:s9] =	ssyncset.done $0x0  }
0xa7: {  	s13 =	rddreg [dreg:$0xc];
	[sflag:s9] =	ssyncadd.s32 $0xFFFFFC00  }
0xa8: {  	[hbm:s13], [sflag:s11] =	dma.local [spmem:s14], $0x400  }
0xa9: {  	_ =	swait.ge [sflag:s9], $0x400  }
0xaa: {  	[sflag:s9] =	ssyncset.done $0x0  }
0xab: {  	s18 =	rddreg [dreg:$0xd];
	[sflag:s9] =	ssyncadd.s32 $0xFFFFFC00  }
0xac: {  	[hbm:s18], [sflag:s11] =	dma.local [spmem:s15], $0x400  }
0xad: {  	s8 =	sadd.s32 $0x1, s8;
	_ =	swait.ge [sflag:s9], $0x400  }
0xae: {  	p0 =	sne.s32 s8, s31;
	[sflag:s9] =	ssyncset.done $0x0  }
.Ltmp4:
0xaf: {  	s20 =	rddreg [dreg:$0xe];
	[sflag:s9] =	ssyncadd.s32 $0xFFFFFC00;
	(pc) =	sbr.rel @p0 .LBB2_1-.Ltmp4, $4  }
0xb0: {  	[hbm:s20], [sflag:s11] =	dma.local [spmem:s17], $0x400  }
0xb1: {  	_ =	swait.ge [sflag:s9], $0x400  }
0xb2: {  	[sflag:s9] =	ssyncset.done $0x0  }
0xb3: {  	[sflag:s9] =	ssyncadd.s32 $0xFFFFFC00  }
0xb4: {  	_ =	sfence.sel $0x180000  }
0xb5: {  	[bflag:$0x0] =	sbarrier.arrive $0xFFFF  }
0xb6: {  	_ =	strace $0x90000047  }
0xb7: {  	s0 =	stileid.u32;
	[bflag:$0x2] =	sbarrier.arrive $0xFFFF  }
0xb8: {  	p0 =	sne.s32 s0, $0x0;
	s0 =	rddreg [dreg:$0x4]  }
0xb9: {  	s0 =	sadd.s32 @!p0 $0x100000, s0  }
0xba: {  	[sflag:s0] =	ssyncadd.tile.s32 @!p0 $0x1;
	_ =	shalt  }
.Lfunc_end2:
_tile_overlayer_lowered:
.L_overlay_start_2:
0xbb: {  	(tag) =	ssettag $0x2  }
0xbc: {  	s0 =	rddreg [dreg:$0x0];
	s2 =	stileid.u32  }
0xbd: {  	s1 =	rddreg [dreg:$0x1];
	p0 =	sne.s32 s2, $0x0  }
0xbe: {  	s3 =	rddreg [dreg:$0x2];
	[bflag:$0x3] =	sbarrier.arrive $0xFFFF;
	s2 =	simm.s32 @!p0 $0x1C01  }
0xbf: {  	[timem:s3], [sflag:s2] =	dma.local @!p0 [hbm:s0], s1  }
0xc0: {  	s0 =	simm.s32 @!p0 $0x1  }
0xc1: {  	_ =	swait.ge @!p0 [sflag:s0], s1  }
0xc2: {  	s1 =	ssub.s32 @!p0 $0x0, s1;
	[sflag:s0] =	ssyncset.done @!p0 $0x0  }
0xc3: {  	[sflag:s0] =	ssyncadd.s32 @!p0 s1  }
0xc4: {  	[bflag:$0x3] =	sbarrier.arrive $0xFFFF  }
0xc5: {  	_ =	shalt  }

</sc_bundles>
